<compile_context>
chip_gen: v7x
topology: tpu7x:2x2x1
jax: 0.10.2.dev20260603
libtpu: 0.0.44.dev20260713+nightly
codegen_flags: <defaults>
</compile_context>

<pallas_src>
import functools

import jax
import jax.numpy as jnp
from jax import lax
from jax.experimental import pallas as pl
from jax.experimental.pallas import tpu as pltpu
from jax.experimental.pallas import tpu_sc as plsc

N_NODES = 10000
N_PAD = 10240
D_FEAT = 256
N_EDGES = 160000
HALF = 128
NC = 2
NS = 16
ROWS_PER_TILE = N_PAD // NS

HOP_CH = 112
HOP_EPT = 10080
HOP_NCH = HOP_EPT // HOP_CH
HOP_NT = HOP_NCH // 2
DEG_CH = 64
DEG_EPT = 5120
DEG_NCH = DEG_EPT // DEG_CH
STG = 64
HSTG = 80


def _make_deg_kernel():
    mesh = plsc.VectorSubcoreMesh(core_axis_name="c", subcore_axis_name="s")

    @functools.partial(
        pl.kernel,
        mesh=mesh,
        out_type=jax.ShapeDtypeStruct((NC, N_PAD, HALF), jnp.float32),
        scratch_types=[
            pltpu.VMEM((DEG_NCH, DEG_CH), jnp.int32),
            pltpu.VMEM((DEG_CH, HALF), jnp.float32),
            pltpu.VMEM((STG, HALF), jnp.float32),
            pltpu.VMEM_SHARED((N_PAD, HALF), jnp.float32),
        ],
    )
    def deg_k(dst_hbm, ones_hbm, zeros_hbm, out_hbm,
              dst_v, ones_v, stage_v, acc_sh):
        c = lax.axis_index("c")
        s = lax.axis_index("s")
        wid = c * NS + s
        base = s * ROWS_PER_TILE

        pltpu.sync_copy(ones_hbm, ones_v)
        pltpu.sync_copy(zeros_hbm, stage_v)

        def zs(i, _):
            pltpu.sync_copy(stage_v, acc_sh.at[pl.ds(base + i * STG, STG)])
            return 0
        lax.fori_loop(0, ROWS_PER_TILE // STG, zs, 0)
        pltpu.sync_copy(dst_hbm.at[wid], dst_v)
        plsc.subcore_barrier()

        def step(j, _):
            pltpu.sync_copy(ones_v, acc_sh.at[dst_v.at[j]], add=True)
            return 0
        lax.fori_loop(0, DEG_NCH, step, 0)
        plsc.subcore_barrier()

        def outp(i, _):
            pltpu.sync_copy(acc_sh.at[pl.ds(base + i * STG, STG)], stage_v)
            pltpu.sync_copy(stage_v, out_hbm.at[c, pl.ds(base + i * STG, STG)])
            return 0
        lax.fori_loop(0, ROWS_PER_TILE // STG, outp, 0)

    return deg_k


def _make_hop_kernel():
    mesh = plsc.VectorSubcoreMesh(core_axis_name="c", subcore_axis_name="s")

    @functools.partial(
        pl.kernel,
        mesh=mesh,
        out_type=[
            jax.ShapeDtypeStruct((N_PAD, HALF), jnp.float32),
            jax.ShapeDtypeStruct((N_PAD, HALF), jnp.float32),
        ],
        scratch_types=[
            pltpu.VMEM((HOP_CH,), jnp.int32),
            pltpu.VMEM((HOP_CH,), jnp.int32),
            pltpu.VMEM((HOP_CH,), jnp.int32),
            pltpu.VMEM((HOP_CH,), jnp.int32),
            pltpu.VMEM((HOP_CH, HALF), jnp.float32),
            pltpu.VMEM((HOP_CH, HALF), jnp.float32),
            pltpu.VMEM_SHARED((N_PAD, HALF), jnp.float32),
            pltpu.SemaphoreType.DMA,
            pltpu.SemaphoreType.DMA,
            pltpu.SemaphoreType.DMA,
            pltpu.SemaphoreType.DMA,
            pltpu.SemaphoreType.DMA,
            pltpu.SemaphoreType.DMA,
        ],
    )
    def hop_k(h0_hbm, h1_hbm, src_hbm, dst_hbm, zeros_hbm, o0_hbm, o1_hbm,
              isa, isb, ida, idb, rows_a, rows_b, acc_sh, sem_a, sem_b,
              sem_isa, sem_isb, sem_ida, sem_idb):
        c = lax.axis_index("c")
        s = lax.axis_index("s")
        base = s * ROWS_PER_TILE

        pltpu.sync_copy(zeros_hbm, rows_a.at[pl.ds(0, HSTG)])

        def zs(i, _):
            pltpu.sync_copy(rows_a.at[pl.ds(0, HSTG)],
                            acc_sh.at[pl.ds(base + i * HSTG, HSTG)])
            return 0
        lax.fori_loop(0, ROWS_PER_TILE // HSTG, zs, 0)
        plsc.subcore_barrier()

        def run(h_hbm):
            def wait_a():
                pltpu.make_async_copy(
                    h_hbm.at[pl.ds(0, HOP_CH)], rows_a, sem_a).wait()

            def wait_b():
                pltpu.make_async_copy(
                    h_hbm.at[pl.ds(0, HOP_CH)], rows_b, sem_b).wait()

            def wait_idx(buf, sem):
                pltpu.make_async_copy(src_hbm.at[s, 0], buf, sem).wait()

            pltpu.async_copy(src_hbm.at[s, 0], isa, sem_isa)
            pltpu.async_copy(dst_hbm.at[s, 0], ida, sem_ida)
            pltpu.async_copy(src_hbm.at[s, 1], isb, sem_isb)
            pltpu.async_copy(dst_hbm.at[s, 1], idb, sem_idb)
            wait_idx(isa, sem_isa)
            pltpu.async_copy(h_hbm.at[isa], rows_a, sem_a)

            def step2(t, _):
                ja = 2 * t
                jb = ja + 1
                wait_a()

                @pl.when(t + 1 < HOP_NT)
                def _():
                    pltpu.async_copy(src_hbm.at[s, ja + 2], isa, sem_isa)

                wait_idx(isb, sem_isb)
                pltpu.async_copy(h_hbm.at[isb], rows_b, sem_b)
                wait_idx(ida, sem_ida)
                pltpu.sync_copy(rows_a, acc_sh.at[ida], add=True)

                @pl.when(t + 1 < HOP_NT)
                def _():
                    pltpu.async_copy(dst_hbm.at[s, ja + 2], ida, sem_ida)

                wait_b()

                @pl.when(t + 1 < HOP_NT)
                def _():
                    wait_idx(isa, sem_isa)
                    pltpu.async_copy(h_hbm.at[isa], rows_a, sem_a)
                    pltpu.async_copy(src_hbm.at[s, jb + 2], isb, sem_isb)

                wait_idx(idb, sem_idb)
                pltpu.sync_copy(rows_b, acc_sh.at[idb], add=True)

                @pl.when(t + 1 < HOP_NT)
                def _():
                    pltpu.async_copy(dst_hbm.at[s, jb + 2], idb, sem_idb)

                return 0
            lax.fori_loop(0, HOP_NT, step2, 0)

        @pl.when(c == 0)
        def _():
            run(h0_hbm)

        @pl.when(c == 1)
        def _():
            run(h1_hbm)

        plsc.subcore_barrier()

        def outp(o_hbm):
            def ostep(i, _):
                pltpu.sync_copy(acc_sh.at[pl.ds(base + i * HSTG, HSTG)],
                                rows_a.at[pl.ds(0, HSTG)])
                pltpu.sync_copy(rows_a.at[pl.ds(0, HSTG)],
                                o_hbm.at[pl.ds(base + i * HSTG, HSTG)])
                return 0
            lax.fori_loop(0, ROWS_PER_TILE // HSTG, ostep, 0)

        @pl.when(c == 0)
        def _():
            outp(o0_hbm)

        @pl.when(c == 1)
        def _():
            outp(o1_hbm)

    return hop_k


def _tc_body(s0_ref, s1_ref, inv_ref, w_ref, b_ref, a_ref, o0_ref, o1_ref):
    agg = jnp.concatenate([s0_ref[...], s1_ref[...]], axis=1) * inv_ref[...]
    lin = lax.dot_general(agg, w_ref[...], (((1,), (1,)), ((), ())),
                          preferred_element_type=jnp.float32)
    lin = lin + b_ref[...]
    a = a_ref[0, 0]
    out = jnp.maximum(lin, 0.0) + a * jnp.minimum(lin, 0.0)
    o0_ref[...] = out[:, :HALF]
    o1_ref[...] = out[:, HALF:]


def _tc_post(s0, s1, inv, w, b2, a2):
    r = 1024
    return pl.pallas_call(
        _tc_body,
        grid=(N_PAD // r,),
        in_specs=[
            pl.BlockSpec((r, HALF), lambda i: (i, 0)),
            pl.BlockSpec((r, HALF), lambda i: (i, 0)),
            pl.BlockSpec((r, 1), lambda i: (i, 0)),
            pl.BlockSpec((D_FEAT, D_FEAT), lambda i: (0, 0)),
            pl.BlockSpec((1, D_FEAT), lambda i: (0, 0)),
            pl.BlockSpec((1, 1), lambda i: (0, 0)),
        ],
        out_specs=[
            pl.BlockSpec((r, HALF), lambda i: (i, 0)),
            pl.BlockSpec((r, HALF), lambda i: (i, 0)),
        ],
        out_shape=[jax.ShapeDtypeStruct((N_PAD, HALF), jnp.float32)] * 2,
    )(s0, s1, inv, w, b2, a2)


_deg_kernel = _make_deg_kernel()
_hop_kernel = _make_hop_kernel()


def _pad_edges(idx, per_tile, padded_per_tile, n_tiles, nch, ch):
    t = idx.reshape(n_tiles, per_tile)
    t = jnp.pad(t, ((0, 0), (0, padded_per_tile - per_tile)),
                constant_values=N_NODES)
    return t.reshape(n_tiles, nch, ch)


def kernel(x, edge_index, k, W_weight, W_bias, prelu_a):
    ei = edge_index.astype(jnp.int32)
    src = _pad_edges(ei[0], N_EDGES // NS, HOP_EPT, NS, HOP_NCH, HOP_CH)
    dst = _pad_edges(ei[1], N_EDGES // NS, HOP_EPT, NS, HOP_NCH, HOP_CH)
    dst2 = _pad_edges(ei[1], N_EDGES // (NC * NS), DEG_EPT, NC * NS,
                      DEG_NCH, DEG_CH)
    h0 = jnp.pad(x[:, :HALF], ((0, N_PAD - N_NODES), (0, 0)))
    h1 = jnp.pad(x[:, HALF:], ((0, N_PAD - N_NODES), (0, 0)))

    ones_c = jnp.ones((DEG_CH, HALF), jnp.float32)
    zeros_c = jnp.zeros((STG, HALF), jnp.float32)
    zeros_h = jnp.zeros((HSTG, HALF), jnp.float32)
    degp = _deg_kernel(dst2, ones_c, zeros_c)
    deg = jnp.maximum(degp[0, :, 0] + degp[1, :, 0], 1.0)
    inv = (1.0 / deg).reshape(N_PAD, 1)
    b2 = W_bias.reshape(1, D_FEAT)
    a2 = prelu_a.reshape(1, 1)

    def hop(_, carry):
        c0, c1 = carry
        s0, s1 = _hop_kernel(c0, c1, src, dst, zeros_h)
        return tuple(_tc_post(s0, s1, inv, W_weight, b2, a2))

    h0, h1 = lax.fori_loop(0, k, hop, (h0, h1))
    return jnp.concatenate([h0[:N_NODES], h1[:N_NODES]], axis=1)

# --- scband reference (transcript-rebuilt; emitter-appended) ---
"""Pipeline reference for scband-agg-21775484190936 (READ-ONLY COPY).

The authoritative reference and input builder live on the scoring server;
editing this copy changes nothing except your own understanding.
"""

import jax, jax.numpy as jnp
import numpy as np

N_NODES = 10000
N_EDGES = 160000
D = 256

def setup_inputs(seed: int = 0) -> dict:
    key = jax.random.key(seed)
    k1, k2, k3, k4 = jax.random.split(key, 4)
    x = jax.random.normal(k1, (N_NODES, D), dtype=jnp.float32)
    edge_index = jax.random.randint(k2, (2, N_EDGES), 0, N_NODES, dtype=jnp.int64)
    # MyLinear(emb_num, emb_num) parameters
    W_weight = jax.random.normal(k3, (D, D), dtype=jnp.float32) * (1.0 / np.sqrt(D))
    W_bias = jnp.zeros((D,), dtype=jnp.float32)
    # MyPReLU single learnable slope, torch default init 0.25
    prelu_a = jnp.asarray(0.25, dtype=jnp.float32)
    return {"x": x, "edge_index": edge_index, "k": 2, "W_weight": W_weight, "W_bias": W_bias, "prelu_a": prelu_a}


def reference(x, edge_index, k, W_weight, W_bias, prelu_a):
    # agg_type == 'mean': g.agg_func performs k hops of mean neighbor aggregation,
    # each followed by linear -> dropout (identity in eval) -> PReLU.
    N = x.shape[0]
    src = edge_index[0]
    dst = edge_index[1]
    deg = jax.ops.segment_sum(jnp.ones(src.shape[0], dtype=x.dtype), dst, num_segments=N)
    deg = jnp.clip(deg, 1.0)[:, None]

    def hop(_, h):
        gathered = h[src]  # [E, D] gather
        summed = jax.ops.segment_sum(gathered, dst, num_segments=N)  # scatter-add
        agg = summed / deg  # mean aggregation
        lin = agg @ W_weight.T + W_bias  # MyLinear
        # nn.Dropout in eval mode is identity
        return jnp.maximum(lin, 0.0) + prelu_a * jnp.minimum(lin, 0.0)  # MyPReLU

    h = jax.lax.fori_loop(0, k, hop, x)
    return h

if __name__ == "__main__":
    import jax
    _d = setup_inputs()
    print(jax.jit(kernel)(*tuple(_d.values())))

</pallas_src>

<mosaic_0001>
#map = affine_map<(d0, d1) -> (0, 0, 0)>
#map1 = affine_map<(d0, d1) -> (0, 0)>
module attributes {stable_mosaic.version = 14 : i64} {
  func.func @deg_k(%arg0: i32, %arg1: i32, %arg2: memref<32x80x64xi32, #tpu.memory_space<hbm>>, %arg3: memref<64x128xf32, #tpu.memory_space<hbm>>, %arg4: memref<64x128xf32, #tpu.memory_space<hbm>>, %arg5: memref<2x10240x128xf32, #tpu.memory_space<hbm>>, %arg6: memref<80x64xi32, #tpu.memory_space<vmem>>, %arg7: memref<64x128xf32, #tpu.memory_space<vmem>>, %arg8: memref<64x128xf32, #tpu.memory_space<vmem>>, %arg9: memref<10240x128xf32, #tpu.memory_space<vmem_shared>>) attributes {dimension_semantics = [#tpu.dimension_semantics<core_parallel>, #tpu.dimension_semantics<subcore_parallel>], iteration_bounds = array<i64: 2, 16>, scalar_prefetch = 0 : i64, scratch_operands = 4 : i64, tpu.core_type = #tpu.core_type<sc_vector_subcore>, window_params = [{transform_indices = #map}, {transform_indices = #map1}, {transform_indices = #map1}, {transform_indices = #map}]} {
    %mul3A = arith.constant 16 : i32
    %mul3A_0 = arith.muli %arg0, %mul3A : i32
    %add3A = arith.addi %mul3A_0, %arg1 : i32
    %mul3A_1 = arith.constant 640 : i32
    %mul3A_2 = arith.muli %arg1, %mul3A_1 : i32
    "tpu.region"() ({
      %run_scoped3A = tpu.sem_alloc : memref<!tpu.dma_semaphore, #tpu.memory_space<semaphore_mem>>
      tpu.enqueue_dma source(%arg3 : memref<64x128xf32, #tpu.memory_space<hbm>>) target(%arg7 : memref<64x128xf32, #tpu.memory_space<vmem>>) target_semaphore(%run_scoped3A : memref<!tpu.dma_semaphore, #tpu.memory_space<semaphore_mem>>)
      tpu.wait_dma2 semaphore(%run_scoped3A : memref<!tpu.dma_semaphore, #tpu.memory_space<semaphore_mem>>) src(%arg3 : memref<64x128xf32, #tpu.memory_space<hbm>>) dst(%arg7 : memref<64x128xf32, #tpu.memory_space<vmem>>)
      tpu.yield
    }) : () -> ()
    "tpu.region"() ({
      %run_scoped3A = tpu.sem_alloc : memref<!tpu.dma_semaphore, #tpu.memory_space<semaphore_mem>>
      tpu.enqueue_dma source(%arg4 : memref<64x128xf32, #tpu.memory_space<hbm>>) target(%arg8 : memref<64x128xf32, #tpu.memory_space<vmem>>) target_semaphore(%run_scoped3A : memref<!tpu.dma_semaphore, #tpu.memory_space<semaphore_mem>>)
      tpu.wait_dma2 semaphore(%run_scoped3A : memref<!tpu.dma_semaphore, #tpu.memory_space<semaphore_mem>>) src(%arg4 : memref<64x128xf32, #tpu.memory_space<hbm>>) dst(%arg8 : memref<64x128xf32, #tpu.memory_space<vmem>>)
      tpu.yield
    }) : () -> ()
    %scan3A = arith.constant 0 : i32
    %scan3A_3 = arith.constant 0 : i32
    %scan3A_4 = arith.constant 10 : i32
    %scan3A_5 = arith.addi %scan3A_3, %scan3A_4 : i32
    %scan3A_6 = arith.constant 1 : i32
    %scan3A_7 = scf.for %scan3A_24 = %scan3A_3 to %scan3A_5 step %scan3A_6 iter_args(%scan3A_25 = %scan3A) -> (i32)  : i32 {
      %mul3A_26 = arith.constant 64 : i32
      %mul3A_27 = arith.muli %scan3A_24, %mul3A_26 : i32
      %add3A_28 = arith.addi %mul3A_2, %mul3A_27 : i32
      "tpu.region"() ({
        %run_scoped3A = tpu.sem_alloc : memref<!tpu.dma_semaphore, #tpu.memory_space<semaphore_mem>>
        %dma_start3A = arith.constant 0 : i32
        %dma_start3A_30 = tpu.memref_slice %arg9[%add3A_28, %dma_start3A] : memref<10240x128xf32, #tpu.memory_space<vmem_shared>> -> memref<64x128xf32, #tpu.memory_space<vmem_shared>>
        %dma_start3A_31 = arith.constant 0 : i32
        %dma_start3A_32 = tpu.memref_slice %arg9[%add3A_28, %dma_start3A_31] : memref<10240x128xf32, #tpu.memory_space<vmem_shared>> -> memref<64x128xf32, #tpu.memory_space<vmem_shared>>
        tpu.enqueue_dma source(%arg8 : memref<64x128xf32, #tpu.memory_space<vmem>>) target(%dma_start3A_32 : memref<64x128xf32, #tpu.memory_space<vmem_shared>>) target_semaphore(%run_scoped3A : memref<!tpu.dma_semaphore, #tpu.memory_space<semaphore_mem>>)
        %dma_wait3A = arith.constant 0 : i32
        %dma_wait3A_33 = tpu.memref_slice %arg9[%add3A_28, %dma_wait3A] : memref<10240x128xf32, #tpu.memory_space<vmem_shared>> -> memref<64x128xf32, #tpu.memory_space<vmem_shared>>
        %dma_wait3A_34 = arith.constant 0 : i32
        %dma_wait3A_35 = tpu.memref_slice %arg9[%add3A_28, %dma_wait3A_34] : memref<10240x128xf32, #tpu.memory_space<vmem_shared>> -> memref<64x128xf32, #tpu.memory_space<vmem_shared>>
        tpu.wait_dma2 semaphore(%run_scoped3A : memref<!tpu.dma_semaphore, #tpu.memory_space<semaphore_mem>>) src(%arg8 : memref<64x128xf32, #tpu.memory_space<vmem>>) dst(%dma_wait3A_35 : memref<64x128xf32, #tpu.memory_space<vmem_shared>>)
        tpu.yield
      }) : () -> ()
      %scan3A_29 = arith.constant 0 : i32
      scf.yield %scan3A_29 : i32
    }
    %scan3A_8 = arith.constant 10 : i32
    "tpu.region"() ({
      %run_scoped3A = tpu.sem_alloc : memref<!tpu.dma_semaphore, #tpu.memory_space<semaphore_mem>>
      %dma_start3A = arith.constant 0 : i32
      %dma_start3A_24 = arith.constant 0 : i32
      %dma_start3A_25 = tpu.memref_slice %arg2[%add3A, %dma_start3A, %dma_start3A_24] : memref<32x80x64xi32, #tpu.memory_space<hbm>> -> memref<1x80x64xi32, #tpu.memory_space<hbm>>
      %dma_start3A_26 = tpu.memref_squeeze %dma_start3A_25 : memref<1x80x64xi32, #tpu.memory_space<hbm>> -> memref<80x64xi32, #tpu.memory_space<hbm>>
      %dma_start3A_27 = arith.constant 0 : i32
      %dma_start3A_28 = arith.constant 0 : i32
      %dma_start3A_29 = tpu.memref_slice %arg2[%add3A, %dma_start3A_27, %dma_start3A_28] : memref<32x80x64xi32, #tpu.memory_space<hbm>> -> memref<1x80x64xi32, #tpu.memory_space<hbm>>
      %dma_start3A_30 = tpu.memref_squeeze %dma_start3A_29 : memref<1x80x64xi32, #tpu.memory_space<hbm>> -> memref<80x64xi32, #tpu.memory_space<hbm>>
      tpu.enqueue_dma source(%dma_start3A_30 : memref<80x64xi32, #tpu.memory_space<hbm>>) target(%arg6 : memref<80x64xi32, #tpu.memory_space<vmem>>) target_semaphore(%run_scoped3A : memref<!tpu.dma_semaphore, #tpu.memory_space<semaphore_mem>>)
      %dma_wait3A = arith.constant 0 : i32
      %dma_wait3A_31 = arith.constant 0 : i32
      %dma_wait3A_32 = tpu.memref_slice %arg2[%add3A, %dma_wait3A, %dma_wait3A_31] : memref<32x80x64xi32, #tpu.memory_space<hbm>> -> memref<1x80x64xi32, #tpu.memory_space<hbm>>
      %dma_wait3A_33 = tpu.memref_squeeze %dma_wait3A_32 : memref<1x80x64xi32, #tpu.memory_space<hbm>> -> memref<80x64xi32, #tpu.memory_space<hbm>>
      %dma_wait3A_34 = arith.constant 0 : i32
      %dma_wait3A_35 = arith.constant 0 : i32
      %dma_wait3A_36 = tpu.memref_slice %arg2[%add3A, %dma_wait3A_34, %dma_wait3A_35] : memref<32x80x64xi32, #tpu.memory_space<hbm>> -> memref<1x80x64xi32, #tpu.memory_space<hbm>>
      %dma_wait3A_37 = tpu.memref_squeeze %dma_wait3A_36 : memref<1x80x64xi32, #tpu.memory_space<hbm>> -> memref<80x64xi32, #tpu.memory_space<hbm>>
      tpu.wait_dma2 semaphore(%run_scoped3A : memref<!tpu.dma_semaphore, #tpu.memory_space<semaphore_mem>>) src(%dma_wait3A_37 : memref<80x64xi32, #tpu.memory_space<hbm>>) dst(%arg6 : memref<80x64xi32, #tpu.memory_space<vmem>>)
      tpu.yield
    }) : () -> ()
    %barrier3A = arith.constant 0 : index
    tpu.barrier barrier_id(%barrier3A)
    %scan3A_9 = arith.constant 0 : i32
    %scan3A_10 = arith.constant 0 : i32
    %scan3A_11 = arith.constant 80 : i32
    %scan3A_12 = arith.addi %scan3A_10, %scan3A_11 : i32
    %scan3A_13 = arith.constant 1 : i32
    %scan3A_14 = scf.for %scan3A_24 = %scan3A_10 to %scan3A_12 step %scan3A_13 iter_args(%scan3A_25 = %scan3A_9) -> (i32)  : i32 {
      "tpu.region"() ({
        %run_scoped3A = tpu.sem_alloc : memref<!tpu.dma_semaphore, #tpu.memory_space<semaphore_mem>>
        %dma_start3A = arith.constant 0 : i32
        %dma_start3A_27 = tpu.memref_slice %arg6[%scan3A_24, %dma_start3A] : memref<80x64xi32, #tpu.memory_space<vmem>> -> memref<1x64xi32, #tpu.memory_space<vmem>>
        %dma_start3A_28 = tpu.memref_squeeze %dma_start3A_27 : memref<1x64xi32, #tpu.memory_space<vmem>> -> memref<64xi32, #tpu.memory_space<vmem>>
        %dma_start3A_29 = arith.constant 0 : i32
        %dma_start3A_30 = arith.constant 0 : i32
        %dma_start3A_31 = tpu.memref_slice %arg9[%dma_start3A_29, %dma_start3A_30] : memref<10240x128xf32, #tpu.memory_space<vmem_shared>> -> memref<10240x128xf32, #tpu.memory_space<vmem_shared>>
        tpu.enqueue_indirect_dma source(%arg7 : memref<64x128xf32, #tpu.memory_space<vmem>>) target(%dma_start3A_31 : memref<10240x128xf32, #tpu.memory_space<vmem_shared>>) offsets(%dma_start3A_28 : memref<64xi32, #tpu.memory_space<vmem>>) semaphore(%run_scoped3A : memref<!tpu.dma_semaphore, #tpu.memory_space<semaphore_mem>>) {add = true}
        %dma_wait3A = arith.constant 0 : i32
        %dma_wait3A_32 = tpu.memref_slice %arg6[%scan3A_24, %dma_wait3A] : memref<80x64xi32, #tpu.memory_space<vmem>> -> memref<1x64xi32, #tpu.memory_space<vmem>>
        %dma_wait3A_33 = tpu.memref_squeeze %dma_wait3A_32 : memref<1x64xi32, #tpu.memory_space<vmem>> -> memref<64xi32, #tpu.memory_space<vmem>>
        %dma_wait3A_34 = arith.constant 0 : i32
        %dma_wait3A_35 = arith.constant 0 : i32
        %dma_wait3A_36 = tpu.memref_slice %arg9[%dma_wait3A_34, %dma_wait3A_35] : memref<10240x128xf32, #tpu.memory_space<vmem_shared>> -> memref<10240x128xf32, #tpu.memory_space<vmem_shared>>
        tpu.wait_indirect_dma semaphore(%run_scoped3A : memref<!tpu.dma_semaphore, #tpu.memory_space<semaphore_mem>>) src(%arg7 : memref<64x128xf32, #tpu.memory_space<vmem>>) dst(%dma_wait3A_36 : memref<10240x128xf32, #tpu.memory_space<vmem_shared>>)
        tpu.yield
      }) : () -> ()
      %scan3A_26 = arith.constant 0 : i32
      scf.yield %scan3A_26 : i32
    }
    %scan3A_15 = arith.constant 80 : i32
    %barrier3A_16 = arith.constant 0 : index
    tpu.barrier barrier_id(%barrier3A_16)
    %scan3A_17 = arith.constant 0 : i32
    %scan3A_18 = arith.constant 0 : i32
    %scan3A_19 = arith.constant 10 : i32
    %scan3A_20 = arith.addi %scan3A_18, %scan3A_19 : i32
    %scan3A_21 = arith.constant 1 : i32
    %scan3A_22 = scf.for %scan3A_24 = %scan3A_18 to %scan3A_20 step %scan3A_21 iter_args(%scan3A_25 = %scan3A_17) -> (i32)  : i32 {
      %mul3A_26 = arith.constant 64 : i32
      %mul3A_27 = arith.muli %scan3A_24, %mul3A_26 : i32
      %add3A_28 = arith.addi %mul3A_2, %mul3A_27 : i32
      "tpu.region"() ({
        %run_scoped3A = tpu.sem_alloc : memref<!tpu.dma_semaphore, #tpu.memory_space<semaphore_mem>>
        %dma_start3A = arith.constant 0 : i32
        %dma_start3A_33 = tpu.memref_slice %arg9[%add3A_28, %dma_start3A] : memref<10240x128xf32, #tpu.memory_space<vmem_shared>> -> memref<64x128xf32, #tpu.memory_space<vmem_shared>>
        %dma_start3A_34 = arith.constant 0 : i32
        %dma_start3A_35 = tpu.memref_slice %arg9[%add3A_28, %dma_start3A_34] : memref<10240x128xf32, #tpu.memory_space<vmem_shared>> -> memref<64x128xf32, #tpu.memory_space<vmem_shared>>
        tpu.enqueue_dma source(%dma_start3A_35 : memref<64x128xf32, #tpu.memory_space<vmem_shared>>) target(%arg8 : memref<64x128xf32, #tpu.memory_space<vmem>>) target_semaphore(%run_scoped3A : memref<!tpu.dma_semaphore, #tpu.memory_space<semaphore_mem>>)
        %dma_wait3A = arith.constant 0 : i32
        %dma_wait3A_36 = tpu.memref_slice %arg9[%add3A_28, %dma_wait3A] : memref<10240x128xf32, #tpu.memory_space<vmem_shared>> -> memref<64x128xf32, #tpu.memory_space<vmem_shared>>
        %dma_wait3A_37 = arith.constant 0 : i32
        %dma_wait3A_38 = tpu.memref_slice %arg9[%add3A_28, %dma_wait3A_37] : memref<10240x128xf32, #tpu.memory_space<vmem_shared>> -> memref<64x128xf32, #tpu.memory_space<vmem_shared>>
        tpu.wait_dma2 semaphore(%run_scoped3A : memref<!tpu.dma_semaphore, #tpu.memory_space<semaphore_mem>>) src(%dma_wait3A_38 : memref<64x128xf32, #tpu.memory_space<vmem_shared>>) dst(%arg8 : memref<64x128xf32, #tpu.memory_space<vmem>>)
        tpu.yield
      }) : () -> ()
      %mul3A_29 = arith.constant 64 : i32
      %mul3A_30 = arith.muli %scan3A_24, %mul3A_29 : i32
      %add3A_31 = arith.addi %mul3A_2, %mul3A_30 : i32
      "tpu.region"() ({
        %run_scoped3A = tpu.sem_alloc : memref<!tpu.dma_semaphore, #tpu.memory_space<semaphore_mem>>
        %dma_start3A = arith.constant 0 : i32
        %dma_start3A_33 = tpu.memref_slice %arg5[%arg0, %add3A_31, %dma_start3A] : memref<2x10240x128xf32, #tpu.memory_space<hbm>> -> memref<1x64x128xf32, #tpu.memory_space<hbm>>
        %dma_start3A_34 = tpu.memref_squeeze %dma_start3A_33 : memref<1x64x128xf32, #tpu.memory_space<hbm>> -> memref<64x128xf32, #tpu.memory_space<hbm>>
        %dma_start3A_35 = arith.constant 0 : i32
        %dma_start3A_36 = tpu.memref_slice %arg5[%arg0, %add3A_31, %dma_start3A_35] : memref<2x10240x128xf32, #tpu.memory_space<hbm>> -> memref<1x64x128xf32, #tpu.memory_space<hbm>>
        %dma_start3A_37 = tpu.memref_squeeze %dma_start3A_36 : memref<1x64x128xf32, #tpu.memory_space<hbm>> -> memref<64x128xf32, #tpu.memory_space<hbm>>
        tpu.enqueue_dma source(%arg8 : memref<64x128xf32, #tpu.memory_space<vmem>>) target(%dma_start3A_37 : memref<64x128xf32, #tpu.memory_space<hbm>>) target_semaphore(%run_scoped3A : memref<!tpu.dma_semaphore, #tpu.memory_space<semaphore_mem>>)
        %dma_wait3A = arith.constant 0 : i32
        %dma_wait3A_38 = tpu.memref_slice %arg5[%arg0, %add3A_31, %dma_wait3A] : memref<2x10240x128xf32, #tpu.memory_space<hbm>> -> memref<1x64x128xf32, #tpu.memory_space<hbm>>
        %dma_wait3A_39 = tpu.memref_squeeze %dma_wait3A_38 : memref<1x64x128xf32, #tpu.memory_space<hbm>> -> memref<64x128xf32, #tpu.memory_space<hbm>>
        %dma_wait3A_40 = arith.constant 0 : i32
        %dma_wait3A_41 = tpu.memref_slice %arg5[%arg0, %add3A_31, %dma_wait3A_40] : memref<2x10240x128xf32, #tpu.memory_space<hbm>> -> memref<1x64x128xf32, #tpu.memory_space<hbm>>
        %dma_wait3A_42 = tpu.memref_squeeze %dma_wait3A_41 : memref<1x64x128xf32, #tpu.memory_space<hbm>> -> memref<64x128xf32, #tpu.memory_space<hbm>>
        tpu.wait_dma2 semaphore(%run_scoped3A : memref<!tpu.dma_semaphore, #tpu.memory_space<semaphore_mem>>) src(%arg8 : memref<64x128xf32, #tpu.memory_space<vmem>>) dst(%dma_wait3A_42 : memref<64x128xf32, #tpu.memory_space<hbm>>)
        tpu.yield
      }) : () -> ()
      %scan3A_32 = arith.constant 0 : i32
      scf.yield %scan3A_32 : i32
    }
    %scan3A_23 = arith.constant 10 : i32
    return
  }
}

#map = affine_map<(d0, d1) -> (0, 0)>
#map1 = affine_map<(d0, d1) -> (0, 0, 0)>
module attributes {stable_mosaic.version = 14 : i64} {
  func.func @hop_k(%arg0: i32, %arg1: i32, %arg2: memref<10240x128xf32, #tpu.memory_space<hbm>>, %arg3: memref<10240x128xf32, #tpu.memory_space<hbm>>, %arg4: memref<16x90x112xi32, #tpu.memory_space<hbm>>, %arg5: memref<16x90x112xi32, #tpu.memory_space<hbm>>, %arg6: memref<80x128xf32, #tpu.memory_space<hbm>>, %arg7: memref<10240x128xf32, #tpu.memory_space<hbm>>, %arg8: memref<10240x128xf32, #tpu.memory_space<hbm>>, %arg9: memref<112xi32, #tpu.memory_space<vmem>>, %arg10: memref<112xi32, #tpu.memory_space<vmem>>, %arg11: memref<112xi32, #tpu.memory_space<vmem>>, %arg12: memref<112xi32, #tpu.memory_space<vmem>>, %arg13: memref<112x128xf32, #tpu.memory_space<vmem>>, %arg14: memref<112x128xf32, #tpu.memory_space<vmem>>, %arg15: memref<10240x128xf32, #tpu.memory_space<vmem_shared>>, %arg16: memref<!tpu.dma_semaphore, #tpu.memory_space<semaphore_mem>>, %arg17: memref<!tpu.dma_semaphore, #tpu.memory_space<semaphore_mem>>, %arg18: memref<!tpu.dma_semaphore, #tpu.memory_space<semaphore_mem>>, %arg19: memref<!tpu.dma_semaphore, #tpu.memory_space<semaphore_mem>>, %arg20: memref<!tpu.dma_semaphore, #tpu.memory_space<semaphore_mem>>, %arg21: memref<!tpu.dma_semaphore, #tpu.memory_space<semaphore_mem>>) attributes {dimension_semantics = [#tpu.dimension_semantics<core_parallel>, #tpu.dimension_semantics<subcore_parallel>], iteration_bounds = array<i64: 2, 16>, scalar_prefetch = 0 : i64, scratch_operands = 13 : i64, tpu.core_type = #tpu.core_type<sc_vector_subcore>, window_params = [{transform_indices = #map}, {transform_indices = #map}, {transform_indices = #map1}, {transform_indices = #map1}, {transform_indices = #map}, {transform_indices = #map}, {transform_indices = #map}]} {
    %mul3A = arith.constant 640 : i32
    %mul3A_0 = arith.muli %arg1, %mul3A : i32
    "tpu.region"() ({
      %run_scoped3A = tpu.sem_alloc : memref<!tpu.dma_semaphore, #tpu.memory_space<semaphore_mem>>
      %dma_start3A = arith.constant 0 : i32
      %dma_start3A_25 = arith.constant 0 : i32
      %dma_start3A_26 = tpu.memref_slice %arg13[%dma_start3A, %dma_start3A_25] : memref<112x128xf32, #tpu.memory_space<vmem>> -> memref<80x128xf32, #tpu.memory_space<vmem>>
      %dma_start3A_27 = arith.constant 0 : i32
      %dma_start3A_28 = arith.constant 0 : i32
      %dma_start3A_29 = tpu.memref_slice %arg13[%dma_start3A_27, %dma_start3A_28] : memref<112x128xf32, #tpu.memory_space<vmem>> -> memref<80x128xf32, #tpu.memory_space<vmem>>
      tpu.enqueue_dma source(%arg6 : memref<80x128xf32, #tpu.memory_space<hbm>>) target(%dma_start3A_29 : memref<80x128xf32, #tpu.memory_space<vmem>>) target_semaphore(%run_scoped3A : memref<!tpu.dma_semaphore, #tpu.memory_space<semaphore_mem>>)
      %dma_wait3A = arith.constant 0 : i32
      %dma_wait3A_30 = arith.constant 0 : i32
      %dma_wait3A_31 = tpu.memref_slice %arg13[%dma_wait3A, %dma_wait3A_30] : memref<112x128xf32, #tpu.memory_space<vmem>> -> memref<80x128xf32, #tpu.memory_space<vmem>>
      %dma_wait3A_32 = arith.constant 0 : i32
      %dma_wait3A_33 = arith.constant 0 : i32
      %dma_wait3A_34 = tpu.memref_slice %arg13[%dma_wait3A_32, %dma_wait3A_33] : memref<112x128xf32, #tpu.memory_space<vmem>> -> memref<80x128xf32, #tpu.memory_space<vmem>>
      tpu.wait_dma2 semaphore(%run_scoped3A : memref<!tpu.dma_semaphore, #tpu.memory_space<semaphore_mem>>) src(%arg6 : memref<80x128xf32, #tpu.memory_space<hbm>>) dst(%dma_wait3A_34 : memref<80x128xf32, #tpu.memory_space<vmem>>)
      tpu.yield
    }) : () -> ()
    %scan3A = arith.constant 0 : i32
    %scan3A_1 = arith.constant 0 : i32
    %scan3A_2 = arith.constant 8 : i32
    %scan3A_3 = arith.addi %scan3A_1, %scan3A_2 : i32
    %scan3A_4 = arith.constant 1 : i32
    %scan3A_5 = scf.for %scan3A_25 = %scan3A_1 to %scan3A_3 step %scan3A_4 iter_args(%scan3A_26 = %scan3A) -> (i32)  : i32 {
      %mul3A_27 = arith.constant 80 : i32
      %mul3A_28 = arith.muli %scan3A_25, %mul3A_27 : i32
      %add3A = arith.addi %mul3A_0, %mul3A_28 : i32
      "tpu.region"() ({
        %run_scoped3A = tpu.sem_alloc : memref<!tpu.dma_semaphore, #tpu.memory_space<semaphore_mem>>
        %dma_start3A = arith.constant 0 : i32
        %dma_start3A_30 = arith.constant 0 : i32
        %dma_start3A_31 = tpu.memref_slice %arg13[%dma_start3A, %dma_start3A_30] : memref<112x128xf32, #tpu.memory_space<vmem>> -> memref<80x128xf32, #tpu.memory_space<vmem>>
        %dma_start3A_32 = arith.constant 0 : i32
        %dma_start3A_33 = tpu.memref_slice %arg15[%add3A, %dma_start3A_32] : memref<10240x128xf32, #tpu.memory_space<vmem_shared>> -> memref<80x128xf32, #tpu.memory_space<vmem_shared>>
        %dma_start3A_34 = arith.constant 0 : i32
        %dma_start3A_35 = tpu.memref_slice %arg15[%add3A, %dma_start3A_34] : memref<10240x128xf32, #tpu.memory_space<vmem_shared>> -> memref<80x128xf32, #tpu.memory_space<vmem_shared>>
        %dma_start3A_36 = arith.constant 0 : i32
        %dma_start3A_37 = arith.constant 0 : i32
        %dma_start3A_38 = tpu.memref_slice %arg13[%dma_start3A_36, %dma_start3A_37] : memref<112x128xf32, #tpu.memory_space<vmem>> -> memref<80x128xf32, #tpu.memory_space<vmem>>
        tpu.enqueue_dma source(%dma_start3A_38 : memref<80x128xf32, #tpu.memory_space<vmem>>) target(%dma_start3A_35 : memref<80x128xf32, #tpu.memory_space<vmem_shared>>) target_semaphore(%run_scoped3A : memref<!tpu.dma_semaphore, #tpu.memory_space<semaphore_mem>>)
        %dma_wait3A = arith.constant 0 : i32
        %dma_wait3A_39 = arith.constant 0 : i32
        %dma_wait3A_40 = tpu.memref_slice %arg13[%dma_wait3A, %dma_wait3A_39] : memref<112x128xf32, #tpu.memory_space<vmem>> -> memref<80x128xf32, #tpu.memory_space<vmem>>
        %dma_wait3A_41 = arith.constant 0 : i32
        %dma_wait3A_42 = tpu.memref_slice %arg15[%add3A, %dma_wait3A_41] : memref<10240x128xf32, #tpu.memory_space<vmem_shared>> -> memref<80x128xf32, #tpu.memory_space<vmem_shared>>
        %dma_wait3A_43 = arith.constant 0 : i32
        %dma_wait3A_44 = tpu.memref_slice %arg15[%add3A, %dma_wait3A_43] : memref<10240x128xf32, #tpu.memory_space<vmem_shared>> -> memref<80x128xf32, #tpu.memory_space<vmem_shared>>
        %dma_wait3A_45 = arith.constant 0 : i32
        %dma_wait3A_46 = arith.constant 0 : i32
        %dma_wait3A_47 = tpu.memref_slice %arg13[%dma_wait3A_45, %dma_wait3A_46] : memref<112x128xf32, #tpu.memory_space<vmem>> -> memref<80x128xf32, #tpu.memory_space<vmem>>
        tpu.wait_dma2 semaphore(%run_scoped3A : memref<!tpu.dma_semaphore, #tpu.memory_space<semaphore_mem>>) src(%dma_wait3A_47 : memref<80x128xf32, #tpu.memory_space<vmem>>) dst(%dma_wait3A_44 : memref<80x128xf32, #tpu.memory_space<vmem_shared>>)
        tpu.yield
      }) : () -> ()
      %scan3A_29 = arith.constant 0 : i32
      scf.yield %scan3A_29 : i32
    }
    %scan3A_6 = arith.constant 8 : i32
    %barrier3A = arith.constant 0 : index
    tpu.barrier barrier_id(%barrier3A)
    %eq3A = arith.constant 0 : i32
    %eq3A_7 = arith.cmpi eq, %arg0, %eq3A : i32
    %convert_element_type3A = arith.extui %eq3A_7 : i1 to i32
    %cond3A = arith.constant 0 : i32
    %cond3A_8 = arith.cmpi ne, %convert_element_type3A, %cond3A : i32
    scf.if %cond3A_8 {
      %dma_start3A = arith.constant 0 : i32
      %dma_start3A_25 = arith.constant 0 : i32
      %dma_start3A_26 = tpu.memref_slice %arg4[%arg1, %dma_start3A, %dma_start3A_25] : memref<16x90x112xi32, #tpu.memory_space<hbm>> -> memref<1x1x112xi32, #tpu.memory_space<hbm>>
      %dma_start3A_27 = tpu.memref_squeeze %dma_start3A_26 : memref<1x1x112xi32, #tpu.memory_space<hbm>> -> memref<112xi32, #tpu.memory_space<hbm>>
      %dma_start3A_28 = arith.constant 0 : i32
      %dma_start3A_29 = tpu.memref_slice %arg4[%arg1, %dma_start3A, %dma_start3A_28] : memref<16x90x112xi32, #tpu.memory_space<hbm>> -> memref<1x1x112xi32, #tpu.memory_space<hbm>>
      %dma_start3A_30 = tpu.memref_squeeze %dma_start3A_29 : memref<1x1x112xi32, #tpu.memory_space<hbm>> -> memref<112xi32, #tpu.memory_space<hbm>>
      tpu.enqueue_dma source(%dma_start3A_30 : memref<112xi32, #tpu.memory_space<hbm>>) target(%arg9 : memref<112xi32, #tpu.memory_space<vmem>>) target_semaphore(%arg18 : memref<!tpu.dma_semaphore, #tpu.memory_space<semaphore_mem>>)
      %dma_start3A_31 = arith.constant 0 : i32
      %dma_start3A_32 = arith.constant 0 : i32
      %dma_start3A_33 = tpu.memref_slice %arg5[%arg1, %dma_start3A_31, %dma_start3A_32] : memref<16x90x112xi32, #tpu.memory_space<hbm>> -> memref<1x1x112xi32, #tpu.memory_space<hbm>>
      %dma_start3A_34 = tpu.memref_squeeze %dma_start3A_33 : memref<1x1x112xi32, #tpu.memory_space<hbm>> -> memref<112xi32, #tpu.memory_space<hbm>>
      %dma_start3A_35 = arith.constant 0 : i32
      %dma_start3A_36 = tpu.memref_slice %arg5[%arg1, %dma_start3A_31, %dma_start3A_35] : memref<16x90x112xi32, #tpu.memory_space<hbm>> -> memref<1x1x112xi32, #tpu.memory_space<hbm>>
      %dma_start3A_37 = tpu.memref_squeeze %dma_start3A_36 : memref<1x1x112xi32, #tpu.memory_space<hbm>> -> memref<112xi32, #tpu.memory_space<hbm>>
      tpu.enqueue_dma source(%dma_start3A_37 : memref<112xi32, #tpu.memory_space<hbm>>) target(%arg11 : memref<112xi32, #tpu.memory_space<vmem>>) target_semaphore(%arg20 : memref<!tpu.dma_semaphore, #tpu.memory_space<semaphore_mem>>)
      %dma_start3A_38 = arith.constant 1 : i32
      %dma_start3A_39 = arith.constant 0 : i32
      %dma_start3A_40 = tpu.memref_slice %arg4[%arg1, %dma_start3A_38, %dma_start3A_39] : memref<16x90x112xi32, #tpu.memory_space<hbm>> -> memref<1x1x112xi32, #tpu.memory_space<hbm>>
      %dma_start3A_41 = tpu.memref_squeeze %dma_start3A_40 : memref<1x1x112xi32, #tpu.memory_space<hbm>> -> memref<112xi32, #tpu.memory_space<hbm>>
      %dma_start3A_42 = arith.constant 0 : i32
      %dma_start3A_43 = tpu.memref_slice %arg4[%arg1, %dma_start3A_38, %dma_start3A_42] : memref<16x90x112xi32, #tpu.memory_space<hbm>> -> memref<1x1x112xi32, #tpu.memory_space<hbm>>
      %dma_start3A_44 = tpu.memref_squeeze %dma_start3A_43 : memref<1x1x112xi32, #tpu.memory_space<hbm>> -> memref<112xi32, #tpu.memory_space<hbm>>
      tpu.enqueue_dma source(%dma_start3A_44 : memref<112xi32, #tpu.memory_space<hbm>>) target(%arg10 : memref<112xi32, #tpu.memory_space<vmem>>) target_semaphore(%arg19 : memref<!tpu.dma_semaphore, #tpu.memory_space<semaphore_mem>>)
      %dma_start3A_45 = arith.constant 1 : i32
      %dma_start3A_46 = arith.constant 0 : i32
      %dma_start3A_47 = tpu.memref_slice %arg5[%arg1, %dma_start3A_45, %dma_start3A_46] : memref<16x90x112xi32, #tpu.memory_space<hbm>> -> memref<1x1x112xi32, #tpu.memory_space<hbm>>
      %dma_start3A_48 = tpu.memref_squeeze %dma_start3A_47 : memref<1x1x112xi32, #tpu.memory_space<hbm>> -> memref<112xi32, #tpu.memory_space<hbm>>
      %dma_start3A_49 = arith.constant 0 : i32
      %dma_start3A_50 = tpu.memref_slice %arg5[%arg1, %dma_start3A_45, %dma_start3A_49] : memref<16x90x112xi32, #tpu.memory_space<hbm>> -> memref<1x1x112xi32, #tpu.memory_space<hbm>>
      %dma_start3A_51 = tpu.memref_squeeze %dma_start3A_50 : memref<1x1x112xi32, #tpu.memory_space<hbm>> -> memref<112xi32, #tpu.memory_space<hbm>>
      tpu.enqueue_dma source(%dma_start3A_51 : memref<112xi32, #tpu.memory_space<hbm>>) target(%arg12 : memref<112xi32, #tpu.memory_space<vmem>>) target_semaphore(%arg21 : memref<!tpu.dma_semaphore, #tpu.memory_space<semaphore_mem>>)
      %dma_wait3A = arith.constant 0 : i32
      %dma_wait3A_52 = arith.constant 0 : i32
      %dma_wait3A_53 = tpu.memref_slice %arg4[%arg1, %dma_wait3A, %dma_wait3A_52] : memref<16x90x112xi32, #tpu.memory_space<hbm>> -> memref<1x1x112xi32, #tpu.memory_space<hbm>>
      %dma_wait3A_54 = tpu.memref_squeeze %dma_wait3A_53 : memref<1x1x112xi32, #tpu.memory_space<hbm>> -> memref<112xi32, #tpu.memory_space<hbm>>
      %dma_wait3A_55 = arith.constant 0 : i32
      %dma_wait3A_56 = tpu.memref_slice %arg4[%arg1, %dma_wait3A, %dma_wait3A_55] : memref<16x90x112xi32, #tpu.memory_space<hbm>> -> memref<1x1x112xi32, #tpu.memory_space<hbm>>
      %dma_wait3A_57 = tpu.memref_squeeze %dma_wait3A_56 : memref<1x1x112xi32, #tpu.memory_space<hbm>> -> memref<112xi32, #tpu.memory_space<hbm>>
      tpu.wait_dma2 semaphore(%arg18 : memref<!tpu.dma_semaphore, #tpu.memory_space<semaphore_mem>>) src(%dma_wait3A_57 : memref<112xi32, #tpu.memory_space<hbm>>) dst(%arg9 : memref<112xi32, #tpu.memory_space<vmem>>)
      %dma_start3A_58 = arith.constant 0 : i32
      %dma_start3A_59 = arith.constant 0 : i32
      %dma_start3A_60 = tpu.memref_slice %arg2[%dma_start3A_58, %dma_start3A_59] : memref<10240x128xf32, #tpu.memory_space<hbm>> -> memref<10240x128xf32, #tpu.memory_space<hbm>>
      tpu.enqueue_indirect_dma source(%dma_start3A_60 : memref<10240x128xf32, #tpu.memory_space<hbm>>) target(%arg13 : memref<112x128xf32, #tpu.memory_space<vmem>>) offsets(%arg9 : memref<112xi32, #tpu.memory_space<vmem>>) semaphore(%arg16 : memref<!tpu.dma_semaphore, #tpu.memory_space<semaphore_mem>>)
      %scan3A_61 = arith.constant 0 : i32
      %scan3A_62 = arith.constant 0 : i32
      %scan3A_63 = arith.constant 45 : i32
      %scan3A_64 = arith.addi %scan3A_62, %scan3A_63 : i32
      %scan3A_65 = arith.constant 1 : i32
      %scan3A_66 = scf.for %scan3A_68 = %scan3A_62 to %scan3A_64 step %scan3A_65 iter_args(%scan3A_69 = %scan3A_61) -> (i32)  : i32 {
        %mul3A_70 = arith.constant 2 : i32
        %mul3A_71 = arith.muli %mul3A_70, %scan3A_68 : i32
        %add3A = arith.constant 1 : i32
        %add3A_72 = arith.addi %mul3A_71, %add3A : i32
        %dma_wait3A_73 = arith.constant 0 : i32
        %dma_wait3A_74 = arith.constant 0 : i32
        %dma_wait3A_75 = tpu.memref_slice %arg2[%dma_wait3A_73, %dma_wait3A_74] : memref<10240x128xf32, #tpu.memory_space<hbm>> -> memref<112x128xf32, #tpu.memory_space<hbm>>
        %dma_wait3A_76 = arith.constant 0 : i32
        %dma_wait3A_77 = arith.constant 0 : i32
        %dma_wait3A_78 = tpu.memref_slice %arg2[%dma_wait3A_76, %dma_wait3A_77] : memref<10240x128xf32, #tpu.memory_space<hbm>> -> memref<112x128xf32, #tpu.memory_space<hbm>>
        tpu.wait_dma2 semaphore(%arg16 : memref<!tpu.dma_semaphore, #tpu.memory_space<semaphore_mem>>) src(%dma_wait3A_78 : memref<112x128xf32, #tpu.memory_space<hbm>>) dst(%arg13 : memref<112x128xf32, #tpu.memory_space<vmem>>)
        %add3A_79 = arith.constant 1 : i32
        %add3A_80 = arith.addi %scan3A_68, %add3A_79 : i32
        %lt3A = arith.constant 45 : i32
        %lt3A_81 = arith.cmpi slt, %add3A_80, %lt3A : i32
        %convert_element_type3A_82 = arith.extui %lt3A_81 : i1 to i32
        %cond3A_83 = arith.constant 0 : i32
        %cond3A_84 = arith.cmpi ne, %convert_element_type3A_82, %cond3A_83 : i32
        scf.if %cond3A_84 {
          %add3A_137 = arith.constant 2 : i32
          %add3A_138 = arith.addi %mul3A_71, %add3A_137 : i32
          %dma_start3A_139 = arith.constant 0 : i32
          %dma_start3A_140 = tpu.memref_slice %arg4[%arg1, %add3A_138, %dma_start3A_139] : memref<16x90x112xi32, #tpu.memory_space<hbm>> -> memref<1x1x112xi32, #tpu.memory_space<hbm>>
          %dma_start3A_141 = tpu.memref_squeeze %dma_start3A_140 : memref<1x1x112xi32, #tpu.memory_space<hbm>> -> memref<112xi32, #tpu.memory_space<hbm>>
          %dma_start3A_142 = arith.constant 0 : i32
          %dma_start3A_143 = tpu.memref_slice %arg4[%arg1, %add3A_138, %dma_start3A_142] : memref<16x90x112xi32, #tpu.memory_space<hbm>> -> memref<1x1x112xi32, #tpu.memory_space<hbm>>
          %dma_start3A_144 = tpu.memref_squeeze %dma_start3A_143 : memref<1x1x112xi32, #tpu.memory_space<hbm>> -> memref<112xi32, #tpu.memory_space<hbm>>
          tpu.enqueue_dma source(%dma_start3A_144 : memref<112xi32, #tpu.memory_space<hbm>>) target(%arg9 : memref<112xi32, #tpu.memory_space<vmem>>) target_semaphore(%arg18 : memref<!tpu.dma_semaphore, #tpu.memory_space<semaphore_mem>>)
        } else {
        }
        %dma_wait3A_85 = arith.constant 0 : i32
        %dma_wait3A_86 = arith.constant 0 : i32
        %dma_wait3A_87 = tpu.memref_slice %arg4[%arg1, %dma_wait3A_85, %dma_wait3A_86] : memref<16x90x112xi32, #tpu.memory_space<hbm>> -> memref<1x1x112xi32, #tpu.memory_space<hbm>>
        %dma_wait3A_88 = tpu.memref_squeeze %dma_wait3A_87 : memref<1x1x112xi32, #tpu.memory_space<hbm>> -> memref<112xi32, #tpu.memory_space<hbm>>
        %dma_wait3A_89 = arith.constant 0 : i32
        %dma_wait3A_90 = tpu.memref_slice %arg4[%arg1, %dma_wait3A_85, %dma_wait3A_89] : memref<16x90x112xi32, #tpu.memory_space<hbm>> -> memref<1x1x112xi32, #tpu.memory_space<hbm>>
        %dma_wait3A_91 = tpu.memref_squeeze %dma_wait3A_90 : memref<1x1x112xi32, #tpu.memory_space<hbm>> -> memref<112xi32, #tpu.memory_space<hbm>>
        tpu.wait_dma2 semaphore(%arg19 : memref<!tpu.dma_semaphore, #tpu.memory_space<semaphore_mem>>) src(%dma_wait3A_91 : memref<112xi32, #tpu.memory_space<hbm>>) dst(%arg10 : memref<112xi32, #tpu.memory_space<vmem>>)
        %dma_start3A_92 = arith.constant 0 : i32
        %dma_start3A_93 = arith.constant 0 : i32
        %dma_start3A_94 = tpu.memref_slice %arg2[%dma_start3A_92, %dma_start3A_93] : memref<10240x128xf32, #tpu.memory_space<hbm>> -> memref<10240x128xf32, #tpu.memory_space<hbm>>
        tpu.enqueue_indirect_dma source(%dma_start3A_94 : memref<10240x128xf32, #tpu.memory_space<hbm>>) target(%arg14 : memref<112x128xf32, #tpu.memory_space<vmem>>) offsets(%arg10 : memref<112xi32, #tpu.memory_space<vmem>>) semaphore(%arg17 : memref<!tpu.dma_semaphore, #tpu.memory_space<semaphore_mem>>)
        %dma_wait3A_95 = arith.constant 0 : i32
        %dma_wait3A_96 = arith.constant 0 : i32
        %dma_wait3A_97 = tpu.memref_slice %arg4[%arg1, %dma_wait3A_95, %dma_wait3A_96] : memref<16x90x112xi32, #tpu.memory_space<hbm>> -> memref<1x1x112xi32, #tpu.memory_space<hbm>>
        %dma_wait3A_98 = tpu.memref_squeeze %dma_wait3A_97 : memref<1x1x112xi32, #tpu.memory_space<hbm>> -> memref<112xi32, #tpu.memory_space<hbm>>
        %dma_wait3A_99 = arith.constant 0 : i32
        %dma_wait3A_100 = tpu.memref_slice %arg4[%arg1, %dma_wait3A_95, %dma_wait3A_99] : memref<16x90x112xi32, #tpu.memory_space<hbm>> -> memref<1x1x112xi32, #tpu.memory_space<hbm>>
        %dma_wait3A_101 = tpu.memref_squeeze %dma_wait3A_100 : memref<1x1x112xi32, #tpu.memory_space<hbm>> -> memref<112xi32, #tpu.memory_space<hbm>>
        tpu.wait_dma2 semaphore(%arg20 : memref<!tpu.dma_semaphore, #tpu.memory_space<semaphore_mem>>) src(%dma_wait3A_101 : memref<112xi32, #tpu.memory_space<hbm>>) dst(%arg11 : memref<112xi32, #tpu.memory_space<vmem>>)
        "tpu.region"() ({
          %run_scoped3A = tpu.sem_alloc : memref<!tpu.dma_semaphore, #tpu.memory_space<semaphore_mem>>
          %dma_start3A_137 = arith.constant 0 : i32
          %dma_start3A_138 = arith.constant 0 : i32
          %dma_start3A_139 = tpu.memref_slice %arg15[%dma_start3A_137, %dma_start3A_138] : memref<10240x128xf32, #tpu.memory_space<vmem_shared>> -> memref<10240x128xf32, #tpu.memory_space<vmem_shared>>
          tpu.enqueue_indirect_dma source(%arg13 : memref<112x128xf32, #tpu.memory_space<vmem>>) target(%dma_start3A_139 : memref<10240x128xf32, #tpu.memory_space<vmem_shared>>) offsets(%arg11 : memref<112xi32, #tpu.memory_space<vmem>>) semaphore(%run_scoped3A : memref<!tpu.dma_semaphore, #tpu.memory_space<semaphore_mem>>) {add = true}
          %dma_wait3A_140 = arith.constant 0 : i32
          %dma_wait3A_141 = arith.constant 0 : i32
          %dma_wait3A_142 = tpu.memref_slice %arg15[%dma_wait3A_140, %dma_wait3A_141] : memref<10240x128xf32, #tpu.memory_space<vmem_shared>> -> memref<10240x128xf32, #tpu.memory_space<vmem_shared>>
          tpu.wait_indirect_dma semaphore(%run_scoped3A : memref<!tpu.dma_semaphore, #tpu.memory_space<semaphore_mem>>) src(%arg13 : memref<112x128xf32, #tpu.memory_space<vmem>>) dst(%dma_wait3A_142 : memref<10240x128xf32, #tpu.memory_space<vmem_shared>>)
          tpu.yield
        }) : () -> ()
        %add3A_102 = arith.constant 1 : i32
        %add3A_103 = arith.addi %scan3A_68, %add3A_102 : i32
        %lt3A_104 = arith.constant 45 : i32
        %lt3A_105 = arith.cmpi slt, %add3A_103, %lt3A_104 : i32
        %convert_element_type3A_106 = arith.extui %lt3A_105 : i1 to i32
        %cond3A_107 = arith.constant 0 : i32
        %cond3A_108 = arith.cmpi ne, %convert_element_type3A_106, %cond3A_107 : i32
        scf.if %cond3A_108 {
          %add3A_137 = arith.constant 2 : i32
          %add3A_138 = arith.addi %mul3A_71, %add3A_137 : i32
          %dma_start3A_139 = arith.constant 0 : i32
          %dma_start3A_140 = tpu.memref_slice %arg5[%arg1, %add3A_138, %dma_start3A_139] : memref<16x90x112xi32, #tpu.memory_space<hbm>> -> memref<1x1x112xi32, #tpu.memory_space<hbm>>
          %dma_start3A_141 = tpu.memref_squeeze %dma_start3A_140 : memref<1x1x112xi32, #tpu.memory_space<hbm>> -> memref<112xi32, #tpu.memory_space<hbm>>
          %dma_start3A_142 = arith.constant 0 : i32
          %dma_start3A_143 = tpu.memref_slice %arg5[%arg1, %add3A_138, %dma_start3A_142] : memref<16x90x112xi32, #tpu.memory_space<hbm>> -> memref<1x1x112xi32, #tpu.memory_space<hbm>>
          %dma_start3A_144 = tpu.memref_squeeze %dma_start3A_143 : memref<1x1x112xi32, #tpu.memory_space<hbm>> -> memref<112xi32, #tpu.memory_space<hbm>>
          tpu.enqueue_dma source(%dma_start3A_144 : memref<112xi32, #tpu.memory_space<hbm>>) target(%arg11 : memref<112xi32, #tpu.memory_space<vmem>>) target_semaphore(%arg20 : memref<!tpu.dma_semaphore, #tpu.memory_space<semaphore_mem>>)
        } else {
        }
        %dma_wait3A_109 = arith.constant 0 : i32
        %dma_wait3A_110 = arith.constant 0 : i32
        %dma_wait3A_111 = tpu.memref_slice %arg2[%dma_wait3A_109, %dma_wait3A_110] : memref<10240x128xf32, #tpu.memory_space<hbm>> -> memref<112x128xf32, #tpu.memory_space<hbm>>
        %dma_wait3A_112 = arith.constant 0 : i32
        %dma_wait3A_113 = arith.constant 0 : i32
        %dma_wait3A_114 = tpu.memref_slice %arg2[%dma_wait3A_112, %dma_wait3A_113] : memref<10240x128xf32, #tpu.memory_space<hbm>> -> memref<112x128xf32, #tpu.memory_space<hbm>>
        tpu.wait_dma2 semaphore(%arg17 : memref<!tpu.dma_semaphore, #tpu.memory_space<semaphore_mem>>) src(%dma_wait3A_114 : memref<112x128xf32, #tpu.memory_space<hbm>>) dst(%arg14 : memref<112x128xf32, #tpu.memory_space<vmem>>)
        %add3A_115 = arith.constant 1 : i32
        %add3A_116 = arith.addi %scan3A_68, %add3A_115 : i32
        %lt3A_117 = arith.constant 45 : i32
        %lt3A_118 = arith.cmpi slt, %add3A_116, %lt3A_117 : i32
        %convert_element_type3A_119 = arith.extui %lt3A_118 : i1 to i32
        %cond3A_120 = arith.constant 0 : i32
        %cond3A_121 = arith.cmpi ne, %convert_element_type3A_119, %cond3A_120 : i32
        scf.if %cond3A_121 {
          %dma_wait3A_137 = arith.constant 0 : i32
          %dma_wait3A_138 = arith.constant 0 : i32
          %dma_wait3A_139 = tpu.memref_slice %arg4[%arg1, %dma_wait3A_137, %dma_wait3A_138] : memref<16x90x112xi32, #tpu.memory_space<hbm>> -> memref<1x1x112xi32, #tpu.memory_space<hbm>>
          %dma_wait3A_140 = tpu.memref_squeeze %dma_wait3A_139 : memref<1x1x112xi32, #tpu.memory_space<hbm>> -> memref<112xi32, #tpu.memory_space<hbm>>
          %dma_wait3A_141 = arith.constant 0 : i32
          %dma_wait3A_142 = tpu.memref_slice %arg4[%arg1, %dma_wait3A_137, %dma_wait3A_141] : memref<16x90x112xi32, #tpu.memory_space<hbm>> -> memref<1x1x112xi32, #tpu.memory_space<hbm>>
          %dma_wait3A_143 = tpu.memref_squeeze %dma_wait3A_142 : memref<1x1x112xi32, #tpu.memory_space<hbm>> -> memref<112xi32, #tpu.memory_space<hbm>>
          tpu.wait_dma2 semaphore(%arg18 : memref<!tpu.dma_semaphore, #tpu.memory_space<semaphore_mem>>) src(%dma_wait3A_143 : memref<112xi32, #tpu.memory_space<hbm>>) dst(%arg9 : memref<112xi32, #tpu.memory_space<vmem>>)
          %dma_start3A_144 = arith.constant 0 : i32
          %dma_start3A_145 = arith.constant 0 : i32
          %dma_start3A_146 = tpu.memref_slice %arg2[%dma_start3A_144, %dma_start3A_145] : memref<10240x128xf32, #tpu.memory_space<hbm>> -> memref<10240x128xf32, #tpu.memory_space<hbm>>
          tpu.enqueue_indirect_dma source(%dma_start3A_146 : memref<10240x128xf32, #tpu.memory_space<hbm>>) target(%arg13 : memref<112x128xf32, #tpu.memory_space<vmem>>) offsets(%arg9 : memref<112xi32, #tpu.memory_space<vmem>>) semaphore(%arg16 : memref<!tpu.dma_semaphore, #tpu.memory_space<semaphore_mem>>)
          %add3A_147 = arith.constant 2 : i32
          %add3A_148 = arith.addi %add3A_72, %add3A_147 : i32
          %dma_start3A_149 = arith.constant 0 : i32
          %dma_start3A_150 = tpu.memref_slice %arg4[%arg1, %add3A_148, %dma_start3A_149] : memref<16x90x112xi32, #tpu.memory_space<hbm>> -> memref<1x1x112xi32, #tpu.memory_space<hbm>>
          %dma_start3A_151 = tpu.memref_squeeze %dma_start3A_150 : memref<1x1x112xi32, #tpu.memory_space<hbm>> -> memref<112xi32, #tpu.memory_space<hbm>>
          %dma_start3A_152 = arith.constant 0 : i32
          %dma_start3A_153 = tpu.memref_slice %arg4[%arg1, %add3A_148, %dma_start3A_152] : memref<16x90x112xi32, #tpu.memory_space<hbm>> -> memref<1x1x112xi32, #tpu.memory_space<hbm>>
          %dma_start3A_154 = tpu.memref_squeeze %dma_start3A_153 : memref<1x1x112xi32, #tpu.memory_space<hbm>> -> memref<112xi32, #tpu.memory_space<hbm>>
          tpu.enqueue_dma source(%dma_start3A_154 : memref<112xi32, #tpu.memory_space<hbm>>) target(%arg10 : memref<112xi32, #tpu.memory_space<vmem>>) target_semaphore(%arg19 : memref<!tpu.dma_semaphore, #tpu.memory_space<semaphore_mem>>)
        } else {
        }
        %dma_wait3A_122 = arith.constant 0 : i32
        %dma_wait3A_123 = arith.constant 0 : i32
        %dma_wait3A_124 = tpu.memref_slice %arg4[%arg1, %dma_wait3A_122, %dma_wait3A_123] : memref<16x90x112xi32, #tpu.memory_space<hbm>> -> memref<1x1x112xi32, #tpu.memory_space<hbm>>
        %dma_wait3A_125 = tpu.memref_squeeze %dma_wait3A_124 : memref<1x1x112xi32, #tpu.memory_space<hbm>> -> memref<112xi32, #tpu.memory_space<hbm>>
        %dma_wait3A_126 = arith.constant 0 : i32
        %dma_wait3A_127 = tpu.memref_slice %arg4[%arg1, %dma_wait3A_122, %dma_wait3A_126] : memref<16x90x112xi32, #tpu.memory_space<hbm>> -> memref<1x1x112xi32, #tpu.memory_space<hbm>>
        %dma_wait3A_128 = tpu.memref_squeeze %dma_wait3A_127 : memref<1x1x112xi32, #tpu.memory_space<hbm>> -> memref<112xi32, #tpu.memory_space<hbm>>
        tpu.wait_dma2 semaphore(%arg21 : memref<!tpu.dma_semaphore, #tpu.memory_space<semaphore_mem>>) src(%dma_wait3A_128 : memref<112xi32, #tpu.memory_space<hbm>>) dst(%arg12 : memref<112xi32, #tpu.memory_space<vmem>>)
        "tpu.region"() ({
          %run_scoped3A = tpu.sem_alloc : memref<!tpu.dma_semaphore, #tpu.memory_space<semaphore_mem>>
          %dma_start3A_137 = arith.constant 0 : i32
          %dma_start3A_138 = arith.constant 0 : i32
          %dma_start3A_139 = tpu.memref_slice %arg15[%dma_start3A_137, %dma_start3A_138] : memref<10240x128xf32, #tpu.memory_space<vmem_shared>> -> memref<10240x128xf32, #tpu.memory_space<vmem_shared>>
          tpu.enqueue_indirect_dma source(%arg14 : memref<112x128xf32, #tpu.memory_space<vmem>>) target(%dma_start3A_139 : memref<10240x128xf32, #tpu.memory_space<vmem_shared>>) offsets(%arg12 : memref<112xi32, #tpu.memory_space<vmem>>) semaphore(%run_scoped3A : memref<!tpu.dma_semaphore, #tpu.memory_space<semaphore_mem>>) {add = true}
          %dma_wait3A_140 = arith.constant 0 : i32
          %dma_wait3A_141 = arith.constant 0 : i32
          %dma_wait3A_142 = tpu.memref_slice %arg15[%dma_wait3A_140, %dma_wait3A_141] : memref<10240x128xf32, #tpu.memory_space<vmem_shared>> -> memref<10240x128xf32, #tpu.memory_space<vmem_shared>>
          tpu.wait_indirect_dma semaphore(%run_scoped3A : memref<!tpu.dma_semaphore, #tpu.memory_space<semaphore_mem>>) src(%arg14 : memref<112x128xf32, #tpu.memory_space<vmem>>) dst(%dma_wait3A_142 : memref<10240x128xf32, #tpu.memory_space<vmem_shared>>)
          tpu.yield
        }) : () -> ()
        %add3A_129 = arith.constant 1 : i32
        %add3A_130 = arith.addi %scan3A_68, %add3A_129 : i32
        %lt3A_131 = arith.constant 45 : i32
        %lt3A_132 = arith.cmpi slt, %add3A_130, %lt3A_131 : i32
        %convert_element_type3A_133 = arith.extui %lt3A_132 : i1 to i32
        %cond3A_134 = arith.constant 0 : i32
        %cond3A_135 = arith.cmpi ne, %convert_element_type3A_133, %cond3A_134 : i32
        scf.if %cond3A_135 {
          %add3A_137 = arith.constant 2 : i32
          %add3A_138 = arith.addi %add3A_72, %add3A_137 : i32
          %dma_start3A_139 = arith.constant 0 : i32
          %dma_start3A_140 = tpu.memref_slice %arg5[%arg1, %add3A_138, %dma_start3A_139] : memref<16x90x112xi32, #tpu.memory_space<hbm>> -> memref<1x1x112xi32, #tpu.memory_space<hbm>>
          %dma_start3A_141 = tpu.memref_squeeze %dma_start3A_140 : memref<1x1x112xi32, #tpu.memory_space<hbm>> -> memref<112xi32, #tpu.memory_space<hbm>>
          %dma_start3A_142 = arith.constant 0 : i32
          %dma_start3A_143 = tpu.memref_slice %arg5[%arg1, %add3A_138, %dma_start3A_142] : memref<16x90x112xi32, #tpu.memory_space<hbm>> -> memref<1x1x112xi32, #tpu.memory_space<hbm>>
          %dma_start3A_144 = tpu.memref_squeeze %dma_start3A_143 : memref<1x1x112xi32, #tpu.memory_space<hbm>> -> memref<112xi32, #tpu.memory_space<hbm>>
          tpu.enqueue_dma source(%dma_start3A_144 : memref<112xi32, #tpu.memory_space<hbm>>) target(%arg12 : memref<112xi32, #tpu.memory_space<vmem>>) target_semaphore(%arg21 : memref<!tpu.dma_semaphore, #tpu.memory_space<semaphore_mem>>)
        } else {
        }
        %scan3A_136 = arith.constant 0 : i32
        scf.yield %scan3A_136 : i32
      }
      %scan3A_67 = arith.constant 45 : i32
    } else {
    }
    %eq3A_9 = arith.constant 1 : i32
    %eq3A_10 = arith.cmpi eq, %arg0, %eq3A_9 : i32
    %convert_element_type3A_11 = arith.extui %eq3A_10 : i1 to i32
    %cond3A_12 = arith.constant 0 : i32
    %cond3A_13 = arith.cmpi ne, %convert_element_type3A_11, %cond3A_12 : i32
    scf.if %cond3A_13 {
      %dma_start3A = arith.constant 0 : i32
      %dma_start3A_25 = arith.constant 0 : i32
      %dma_start3A_26 = tpu.memref_slice %arg4[%arg1, %dma_start3A, %dma_start3A_25] : memref<16x90x112xi32, #tpu.memory_space<hbm>> -> memref<1x1x112xi32, #tpu.memory_space<hbm>>
      %dma_start3A_27 = tpu.memref_squeeze %dma_start3A_26 : memref<1x1x112xi32, #tpu.memory_space<hbm>> -> memref<112xi32, #tpu.memory_space<hbm>>
      %dma_start3A_28 = arith.constant 0 : i32
      %dma_start3A_29 = tpu.memref_slice %arg4[%arg1, %dma_start3A, %dma_start3A_28] : memref<16x90x112xi32, #tpu.memory_space<hbm>> -> memref<1x1x112xi32, #tpu.memory_space<hbm>>
      %dma_start3A_30 = tpu.memref_squeeze %dma_start3A_29 : memref<1x1x112xi32, #tpu.memory_space<hbm>> -> memref<112xi32, #tpu.memory_space<hbm>>
      tpu.enqueue_dma source(%dma_start3A_30 : memref<112xi32, #tpu.memory_space<hbm>>) target(%arg9 : memref<112xi32, #tpu.memory_space<vmem>>) target_semaphore(%arg18 : memref<!tpu.dma_semaphore, #tpu.memory_space<semaphore_mem>>)
      %dma_start3A_31 = arith.constant 0 : i32
      %dma_start3A_32 = arith.constant 0 : i32
      %dma_start3A_33 = tpu.memref_slice %arg5[%arg1, %dma_start3A_31, %dma_start3A_32] : memref<16x90x112xi32, #tpu.memory_space<hbm>> -> memref<1x1x112xi32, #tpu.memory_space<hbm>>
      %dma_start3A_34 = tpu.memref_squeeze %dma_start3A_33 : memref<1x1x112xi32, #tpu.memory_space<hbm>> -> memref<112xi32, #tpu.memory_space<hbm>>
      %dma_start3A_35 = arith.constant 0 : i32
      %dma_start3A_36 = tpu.memref_slice %arg5[%arg1, %dma_start3A_31, %dma_start3A_35] : memref<16x90x112xi32, #tpu.memory_space<hbm>> -> memref<1x1x112xi32, #tpu.memory_space<hbm>>
      %dma_start3A_37 = tpu.memref_squeeze %dma_start3A_36 : memref<1x1x112xi32, #tpu.memory_space<hbm>> -> memref<112xi32, #tpu.memory_space<hbm>>
      tpu.enqueue_dma source(%dma_start3A_37 : memref<112xi32, #tpu.memory_space<hbm>>) target(%arg11 : memref<112xi32, #tpu.memory_space<vmem>>) target_semaphore(%arg20 : memref<!tpu.dma_semaphore, #tpu.memory_space<semaphore_mem>>)
      %dma_start3A_38 = arith.constant 1 : i32
      %dma_start3A_39 = arith.constant 0 : i32
      %dma_start3A_40 = tpu.memref_slice %arg4[%arg1, %dma_start3A_38, %dma_start3A_39] : memref<16x90x112xi32, #tpu.memory_space<hbm>> -> memref<1x1x112xi32, #tpu.memory_space<hbm>>
      %dma_start3A_41 = tpu.memref_squeeze %dma_start3A_40 : memref<1x1x112xi32, #tpu.memory_space<hbm>> -> memref<112xi32, #tpu.memory_space<hbm>>
      %dma_start3A_42 = arith.constant 0 : i32
      %dma_start3A_43 = tpu.memref_slice %arg4[%arg1, %dma_start3A_38, %dma_start3A_42] : memref<16x90x112xi32, #tpu.memory_space<hbm>> -> memref<1x1x112xi32, #tpu.memory_space<hbm>>
      %dma_start3A_44 = tpu.memref_squeeze %dma_start3A_43 : memref<1x1x112xi32, #tpu.memory_space<hbm>> -> memref<112xi32, #tpu.memory_space<hbm>>
      tpu.enqueue_dma source(%dma_start3A_44 : memref<112xi32, #tpu.memory_space<hbm>>) target(%arg10 : memref<112xi32, #tpu.memory_space<vmem>>) target_semaphore(%arg19 : memref<!tpu.dma_semaphore, #tpu.memory_space<semaphore_mem>>)
      %dma_start3A_45 = arith.constant 1 : i32
      %dma_start3A_46 = arith.constant 0 : i32
      %dma_start3A_47 = tpu.memref_slice %arg5[%arg1, %dma_start3A_45, %dma_start3A_46] : memref<16x90x112xi32, #tpu.memory_space<hbm>> -> memref<1x1x112xi32, #tpu.memory_space<hbm>>
      %dma_start3A_48 = tpu.memref_squeeze %dma_start3A_47 : memref<1x1x112xi32, #tpu.memory_space<hbm>> -> memref<112xi32, #tpu.memory_space<hbm>>
      %dma_start3A_49 = arith.constant 0 : i32
      %dma_start3A_50 = tpu.memref_slice %arg5[%arg1, %dma_start3A_45, %dma_start3A_49] : memref<16x90x112xi32, #tpu.memory_space<hbm>> -> memref<1x1x112xi32, #tpu.memory_space<hbm>>
      %dma_start3A_51 = tpu.memref_squeeze %dma_start3A_50 : memref<1x1x112xi32, #tpu.memory_space<hbm>> -> memref<112xi32, #tpu.memory_space<hbm>>
      tpu.enqueue_dma source(%dma_start3A_51 : memref<112xi32, #tpu.memory_space<hbm>>) target(%arg12 : memref<112xi32, #tpu.memory_space<vmem>>) target_semaphore(%arg21 : memref<!tpu.dma_semaphore, #tpu.memory_space<semaphore_mem>>)
      %dma_wait3A = arith.constant 0 : i32
      %dma_wait3A_52 = arith.constant 0 : i32
      %dma_wait3A_53 = tpu.memref_slice %arg4[%arg1, %dma_wait3A, %dma_wait3A_52] : memref<16x90x112xi32, #tpu.memory_space<hbm>> -> memref<1x1x112xi32, #tpu.memory_space<hbm>>
      %dma_wait3A_54 = tpu.memref_squeeze %dma_wait3A_53 : memref<1x1x112xi32, #tpu.memory_space<hbm>> -> memref<112xi32, #tpu.memory_space<hbm>>
      %dma_wait3A_55 = arith.constant 0 : i32
      %dma_wait3A_56 = tpu.memref_slice %arg4[%arg1, %dma_wait3A, %dma_wait3A_55] : memref<16x90x112xi32, #tpu.memory_space<hbm>> -> memref<1x1x112xi32, #tpu.memory_space<hbm>>
      %dma_wait3A_57 = tpu.memref_squeeze %dma_wait3A_56 : memref<1x1x112xi32, #tpu.memory_space<hbm>> -> memref<112xi32, #tpu.memory_space<hbm>>
      tpu.wait_dma2 semaphore(%arg18 : memref<!tpu.dma_semaphore, #tpu.memory_space<semaphore_mem>>) src(%dma_wait3A_57 : memref<112xi32, #tpu.memory_space<hbm>>) dst(%arg9 : memref<112xi32, #tpu.memory_space<vmem>>)
      %dma_start3A_58 = arith.constant 0 : i32
      %dma_start3A_59 = arith.constant 0 : i32
      %dma_start3A_60 = tpu.memref_slice %arg3[%dma_start3A_58, %dma_start3A_59] : memref<10240x128xf32, #tpu.memory_space<hbm>> -> memref<10240x128xf32, #tpu.memory_space<hbm>>
      tpu.enqueue_indirect_dma source(%dma_start3A_60 : memref<10240x128xf32, #tpu.memory_space<hbm>>) target(%arg13 : memref<112x128xf32, #tpu.memory_space<vmem>>) offsets(%arg9 : memref<112xi32, #tpu.memory_space<vmem>>) semaphore(%arg16 : memref<!tpu.dma_semaphore, #tpu.memory_space<semaphore_mem>>)
      %scan3A_61 = arith.constant 0 : i32
      %scan3A_62 = arith.constant 0 : i32
      %scan3A_63 = arith.constant 45 : i32
      %scan3A_64 = arith.addi %scan3A_62, %scan3A_63 : i32
      %scan3A_65 = arith.constant 1 : i32
      %scan3A_66 = scf.for %scan3A_68 = %scan3A_62 to %scan3A_64 step %scan3A_65 iter_args(%scan3A_69 = %scan3A_61) -> (i32)  : i32 {
        %mul3A_70 = arith.constant 2 : i32
        %mul3A_71 = arith.muli %mul3A_70, %scan3A_68 : i32
        %add3A = arith.constant 1 : i32
        %add3A_72 = arith.addi %mul3A_71, %add3A : i32
        %dma_wait3A_73 = arith.constant 0 : i32
        %dma_wait3A_74 = arith.constant 0 : i32
        %dma_wait3A_75 = tpu.memref_slice %arg3[%dma_wait3A_73, %dma_wait3A_74] : memref<10240x128xf32, #tpu.memory_space<hbm>> -> memref<112x128xf32, #tpu.memory_space<hbm>>
        %dma_wait3A_76 = arith.constant 0 : i32
        %dma_wait3A_77 = arith.constant 0 : i32
        %dma_wait3A_78 = tpu.memref_slice %arg3[%dma_wait3A_76, %dma_wait3A_77] : memref<10240x128xf32, #tpu.memory_space<hbm>> -> memref<112x128xf32, #tpu.memory_space<hbm>>
        tpu.wait_dma2 semaphore(%arg16 : memref<!tpu.dma_semaphore, #tpu.memory_space<semaphore_mem>>) src(%dma_wait3A_78 : memref<112x128xf32, #tpu.memory_space<hbm>>) dst(%arg13 : memref<112x128xf32, #tpu.memory_space<vmem>>)
        %add3A_79 = arith.constant 1 : i32
        %add3A_80 = arith.addi %scan3A_68, %add3A_79 : i32
        %lt3A = arith.constant 45 : i32
        %lt3A_81 = arith.cmpi slt, %add3A_80, %lt3A : i32
        %convert_element_type3A_82 = arith.extui %lt3A_81 : i1 to i32
        %cond3A_83 = arith.constant 0 : i32
        %cond3A_84 = arith.cmpi ne, %convert_element_type3A_82, %cond3A_83 : i32
        scf.if %cond3A_84 {
          %add3A_137 = arith.constant 2 : i32
          %add3A_138 = arith.addi %mul3A_71, %add3A_137 : i32
          %dma_start3A_139 = arith.constant 0 : i32
          %dma_start3A_140 = tpu.memref_slice %arg4[%arg1, %add3A_138, %dma_start3A_139] : memref<16x90x112xi32, #tpu.memory_space<hbm>> -> memref<1x1x112xi32, #tpu.memory_space<hbm>>
          %dma_start3A_141 = tpu.memref_squeeze %dma_start3A_140 : memref<1x1x112xi32, #tpu.memory_space<hbm>> -> memref<112xi32, #tpu.memory_space<hbm>>
          %dma_start3A_142 = arith.constant 0 : i32
          %dma_start3A_143 = tpu.memref_slice %arg4[%arg1, %add3A_138, %dma_start3A_142] : memref<16x90x112xi32, #tpu.memory_space<hbm>> -> memref<1x1x112xi32, #tpu.memory_space<hbm>>
          %dma_start3A_144 = tpu.memref_squeeze %dma_start3A_143 : memref<1x1x112xi32, #tpu.memory_space<hbm>> -> memref<112xi32, #tpu.memory_space<hbm>>
          tpu.enqueue_dma source(%dma_start3A_144 : memref<112xi32, #tpu.memory_space<hbm>>) target(%arg9 : memref<112xi32, #tpu.memory_space<vmem>>) target_semaphore(%arg18 : memref<!tpu.dma_semaphore, #tpu.memory_space<semaphore_mem>>)
        } else {
        }
        %dma_wait3A_85 = arith.constant 0 : i32
        %dma_wait3A_86 = arith.constant 0 : i32
        %dma_wait3A_87 = tpu.memref_slice %arg4[%arg1, %dma_wait3A_85, %dma_wait3A_86] : memref<16x90x112xi32, #tpu.memory_space<hbm>> -> memref<1x1x112xi32, #tpu.memory_space<hbm>>
        %dma_wait3A_88 = tpu.memref_squeeze %dma_wait3A_87 : memref<1x1x112xi32, #tpu.memory_space<hbm>> -> memref<112xi32, #tpu.memory_space<hbm>>
        %dma_wait3A_89 = arith.constant 0 : i32
        %dma_wait3A_90 = tpu.memref_slice %arg4[%arg1, %dma_wait3A_85, %dma_wait3A_89] : memref<16x90x112xi32, #tpu.memory_space<hbm>> -> memref<1x1x112xi32, #tpu.memory_space<hbm>>
        %dma_wait3A_91 = tpu.memref_squeeze %dma_wait3A_90 : memref<1x1x112xi32, #tpu.memory_space<hbm>> -> memref<112xi32, #tpu.memory_space<hbm>>
        tpu.wait_dma2 semaphore(%arg19 : memref<!tpu.dma_semaphore, #tpu.memory_space<semaphore_mem>>) src(%dma_wait3A_91 : memref<112xi32, #tpu.memory_space<hbm>>) dst(%arg10 : memref<112xi32, #tpu.memory_space<vmem>>)
        %dma_start3A_92 = arith.constant 0 : i32
        %dma_start3A_93 = arith.constant 0 : i32
        %dma_start3A_94 = tpu.memref_slice %arg3[%dma_start3A_92, %dma_start3A_93] : memref<10240x128xf32, #tpu.memory_space<hbm>> -> memref<10240x128xf32, #tpu.memory_space<hbm>>
        tpu.enqueue_indirect_dma source(%dma_start3A_94 : memref<10240x128xf32, #tpu.memory_space<hbm>>) target(%arg14 : memref<112x128xf32, #tpu.memory_space<vmem>>) offsets(%arg10 : memref<112xi32, #tpu.memory_space<vmem>>) semaphore(%arg17 : memref<!tpu.dma_semaphore, #tpu.memory_space<semaphore_mem>>)
        %dma_wait3A_95 = arith.constant 0 : i32
        %dma_wait3A_96 = arith.constant 0 : i32
        %dma_wait3A_97 = tpu.memref_slice %arg4[%arg1, %dma_wait3A_95, %dma_wait3A_96] : memref<16x90x112xi32, #tpu.memory_space<hbm>> -> memref<1x1x112xi32, #tpu.memory_space<hbm>>
        %dma_wait3A_98 = tpu.memref_squeeze %dma_wait3A_97 : memref<1x1x112xi32, #tpu.memory_space<hbm>> -> memref<112xi32, #tpu.memory_space<hbm>>
        %dma_wait3A_99 = arith.constant 0 : i32
        %dma_wait3A_100 = tpu.memref_slice %arg4[%arg1, %dma_wait3A_95, %dma_wait3A_99] : memref<16x90x112xi32, #tpu.memory_space<hbm>> -> memref<1x1x112xi32, #tpu.memory_space<hbm>>
        %dma_wait3A_101 = tpu.memref_squeeze %dma_wait3A_100 : memref<1x1x112xi32, #tpu.memory_space<hbm>> -> memref<112xi32, #tpu.memory_space<hbm>>
        tpu.wait_dma2 semaphore(%arg20 : memref<!tpu.dma_semaphore, #tpu.memory_space<semaphore_mem>>) src(%dma_wait3A_101 : memref<112xi32, #tpu.memory_space<hbm>>) dst(%arg11 : memref<112xi32, #tpu.memory_space<vmem>>)
        "tpu.region"() ({
          %run_scoped3A = tpu.sem_alloc : memref<!tpu.dma_semaphore, #tpu.memory_space<semaphore_mem>>
          %dma_start3A_137 = arith.constant 0 : i32
          %dma_start3A_138 = arith.constant 0 : i32
          %dma_start3A_139 = tpu.memref_slice %arg15[%dma_start3A_137, %dma_start3A_138] : memref<10240x128xf32, #tpu.memory_space<vmem_shared>> -> memref<10240x128xf32, #tpu.memory_space<vmem_shared>>
          tpu.enqueue_indirect_dma source(%arg13 : memref<112x128xf32, #tpu.memory_space<vmem>>) target(%dma_start3A_139 : memref<10240x128xf32, #tpu.memory_space<vmem_shared>>) offsets(%arg11 : memref<112xi32, #tpu.memory_space<vmem>>) semaphore(%run_scoped3A : memref<!tpu.dma_semaphore, #tpu.memory_space<semaphore_mem>>) {add = true}
          %dma_wait3A_140 = arith.constant 0 : i32
          %dma_wait3A_141 = arith.constant 0 : i32
          %dma_wait3A_142 = tpu.memref_slice %arg15[%dma_wait3A_140, %dma_wait3A_141] : memref<10240x128xf32, #tpu.memory_space<vmem_shared>> -> memref<10240x128xf32, #tpu.memory_space<vmem_shared>>
          tpu.wait_indirect_dma semaphore(%run_scoped3A : memref<!tpu.dma_semaphore, #tpu.memory_space<semaphore_mem>>) src(%arg13 : memref<112x128xf32, #tpu.memory_space<vmem>>) dst(%dma_wait3A_142 : memref<10240x128xf32, #tpu.memory_space<vmem_shared>>)
          tpu.yield
        }) : () -> ()
        %add3A_102 = arith.constant 1 : i32
        %add3A_103 = arith.addi %scan3A_68, %add3A_102 : i32
        %lt3A_104 = arith.constant 45 : i32
        %lt3A_105 = arith.cmpi slt, %add3A_103, %lt3A_104 : i32
        %convert_element_type3A_106 = arith.extui %lt3A_105 : i1 to i32
        %cond3A_107 = arith.constant 0 : i32
        %cond3A_108 = arith.cmpi ne, %convert_element_type3A_106, %cond3A_107 : i32
        scf.if %cond3A_108 {
          %add3A_137 = arith.constant 2 : i32
          %add3A_138 = arith.addi %mul3A_71, %add3A_137 : i32
          %dma_start3A_139 = arith.constant 0 : i32
          %dma_start3A_140 = tpu.memref_slice %arg5[%arg1, %add3A_138, %dma_start3A_139] : memref<16x90x112xi32, #tpu.memory_space<hbm>> -> memref<1x1x112xi32, #tpu.memory_space<hbm>>
          %dma_start3A_141 = tpu.memref_squeeze %dma_start3A_140 : memref<1x1x112xi32, #tpu.memory_space<hbm>> -> memref<112xi32, #tpu.memory_space<hbm>>
          %dma_start3A_142 = arith.constant 0 : i32
          %dma_start3A_143 = tpu.memref_slice %arg5[%arg1, %add3A_138, %dma_start3A_142] : memref<16x90x112xi32, #tpu.memory_space<hbm>> -> memref<1x1x112xi32, #tpu.memory_space<hbm>>
          %dma_start3A_144 = tpu.memref_squeeze %dma_start3A_143 : memref<1x1x112xi32, #tpu.memory_space<hbm>> -> memref<112xi32, #tpu.memory_space<hbm>>
          tpu.enqueue_dma source(%dma_start3A_144 : memref<112xi32, #tpu.memory_space<hbm>>) target(%arg11 : memref<112xi32, #tpu.memory_space<vmem>>) target_semaphore(%arg20 : memref<!tpu.dma_semaphore, #tpu.memory_space<semaphore_mem>>)
        } else {
        }
        %dma_wait3A_109 = arith.constant 0 : i32
        %dma_wait3A_110 = arith.constant 0 : i32
        %dma_wait3A_111 = tpu.memref_slice %arg3[%dma_wait3A_109, %dma_wait3A_110] : memref<10240x128xf32, #tpu.memory_space<hbm>> -> memref<112x128xf32, #tpu.memory_space<hbm>>
        %dma_wait3A_112 = arith.constant 0 : i32
        %dma_wait3A_113 = arith.constant 0 : i32
        %dma_wait3A_114 = tpu.memref_slice %arg3[%dma_wait3A_112, %dma_wait3A_113] : memref<10240x128xf32, #tpu.memory_space<hbm>> -> memref<112x128xf32, #tpu.memory_space<hbm>>
        tpu.wait_dma2 semaphore(%arg17 : memref<!tpu.dma_semaphore, #tpu.memory_space<semaphore_mem>>) src(%dma_wait3A_114 : memref<112x128xf32, #tpu.memory_space<hbm>>) dst(%arg14 : memref<112x128xf32, #tpu.memory_space<vmem>>)
        %add3A_115 = arith.constant 1 : i32
        %add3A_116 = arith.addi %scan3A_68, %add3A_115 : i32
        %lt3A_117 = arith.constant 45 : i32
        %lt3A_118 = arith.cmpi slt, %add3A_116, %lt3A_117 : i32
        %convert_element_type3A_119 = arith.extui %lt3A_118 : i1 to i32
        %cond3A_120 = arith.constant 0 : i32
        %cond3A_121 = arith.cmpi ne, %convert_element_type3A_119, %cond3A_120 : i32
        scf.if %cond3A_121 {
          %dma_wait3A_137 = arith.constant 0 : i32
          %dma_wait3A_138 = arith.constant 0 : i32
          %dma_wait3A_139 = tpu.memref_slice %arg4[%arg1, %dma_wait3A_137, %dma_wait3A_138] : memref<16x90x112xi32, #tpu.memory_space<hbm>> -> memref<1x1x112xi32, #tpu.memory_space<hbm>>
          %dma_wait3A_140 = tpu.memref_squeeze %dma_wait3A_139 : memref<1x1x112xi32, #tpu.memory_space<hbm>> -> memref<112xi32, #tpu.memory_space<hbm>>
          %dma_wait3A_141 = arith.constant 0 : i32
          %dma_wait3A_142 = tpu.memref_slice %arg4[%arg1, %dma_wait3A_137, %dma_wait3A_141] : memref<16x90x112xi32, #tpu.memory_space<hbm>> -> memref<1x1x112xi32, #tpu.memory_space<hbm>>
          %dma_wait3A_143 = tpu.memref_squeeze %dma_wait3A_142 : memref<1x1x112xi32, #tpu.memory_space<hbm>> -> memref<112xi32, #tpu.memory_space<hbm>>
          tpu.wait_dma2 semaphore(%arg18 : memref<!tpu.dma_semaphore, #tpu.memory_space<semaphore_mem>>) src(%dma_wait3A_143 : memref<112xi32, #tpu.memory_space<hbm>>) dst(%arg9 : memref<112xi32, #tpu.memory_space<vmem>>)
          %dma_start3A_144 = arith.constant 0 : i32
          %dma_start3A_145 = arith.constant 0 : i32
          %dma_start3A_146 = tpu.memref_slice %arg3[%dma_start3A_144, %dma_start3A_145] : memref<10240x128xf32, #tpu.memory_space<hbm>> -> memref<10240x128xf32, #tpu.memory_space<hbm>>
          tpu.enqueue_indirect_dma source(%dma_start3A_146 : memref<10240x128xf32, #tpu.memory_space<hbm>>) target(%arg13 : memref<112x128xf32, #tpu.memory_space<vmem>>) offsets(%arg9 : memref<112xi32, #tpu.memory_space<vmem>>) semaphore(%arg16 : memref<!tpu.dma_semaphore, #tpu.memory_space<semaphore_mem>>)
          %add3A_147 = arith.constant 2 : i32
          %add3A_148 = arith.addi %add3A_72, %add3A_147 : i32
          %dma_start3A_149 = arith.constant 0 : i32
          %dma_start3A_150 = tpu.memref_slice %arg4[%arg1, %add3A_148, %dma_start3A_149] : memref<16x90x112xi32, #tpu.memory_space<hbm>> -> memref<1x1x112xi32, #tpu.memory_space<hbm>>
          %dma_start3A_151 = tpu.memref_squeeze %dma_start3A_150 : memref<1x1x112xi32, #tpu.memory_space<hbm>> -> memref<112xi32, #tpu.memory_space<hbm>>
          %dma_start3A_152 = arith.constant 0 : i32
          %dma_start3A_153 = tpu.memref_slice %arg4[%arg1, %add3A_148, %dma_start3A_152] : memref<16x90x112xi32, #tpu.memory_space<hbm>> -> memref<1x1x112xi32, #tpu.memory_space<hbm>>
          %dma_start3A_154 = tpu.memref_squeeze %dma_start3A_153 : memref<1x1x112xi32, #tpu.memory_space<hbm>> -> memref<112xi32, #tpu.memory_space<hbm>>
          tpu.enqueue_dma source(%dma_start3A_154 : memref<112xi32, #tpu.memory_space<hbm>>) target(%arg10 : memref<112xi32, #tpu.memory_space<vmem>>) target_semaphore(%arg19 : memref<!tpu.dma_semaphore, #tpu.memory_space<semaphore_mem>>)
        } else {
        }
        %dma_wait3A_122 = arith.constant 0 : i32
        %dma_wait3A_123 = arith.constant 0 : i32
        %dma_wait3A_124 = tpu.memref_slice %arg4[%arg1, %dma_wait3A_122, %dma_wait3A_123] : memref<16x90x112xi32, #tpu.memory_space<hbm>> -> memref<1x1x112xi32, #tpu.memory_space<hbm>>
        %dma_wait3A_125 = tpu.memref_squeeze %dma_wait3A_124 : memref<1x1x112xi32, #tpu.memory_space<hbm>> -> memref<112xi32, #tpu.memory_space<hbm>>
        %dma_wait3A_126 = arith.constant 0 : i32
        %dma_wait3A_127 = tpu.memref_slice %arg4[%arg1, %dma_wait3A_122, %dma_wait3A_126] : memref<16x90x112xi32, #tpu.memory_space<hbm>> -> memref<1x1x112xi32, #tpu.memory_space<hbm>>
        %dma_wait3A_128 = tpu.memref_squeeze %dma_wait3A_127 : memref<1x1x112xi32, #tpu.memory_space<hbm>> -> memref<112xi32, #tpu.memory_space<hbm>>
        tpu.wait_dma2 semaphore(%arg21 : memref<!tpu.dma_semaphore, #tpu.memory_space<semaphore_mem>>) src(%dma_wait3A_128 : memref<112xi32, #tpu.memory_space<hbm>>) dst(%arg12 : memref<112xi32, #tpu.memory_space<vmem>>)
        "tpu.region"() ({
          %run_scoped3A = tpu.sem_alloc : memref<!tpu.dma_semaphore, #tpu.memory_space<semaphore_mem>>
          %dma_start3A_137 = arith.constant 0 : i32
          %dma_start3A_138 = arith.constant 0 : i32
          %dma_start3A_139 = tpu.memref_slice %arg15[%dma_start3A_137, %dma_start3A_138] : memref<10240x128xf32, #tpu.memory_space<vmem_shared>> -> memref<10240x128xf32, #tpu.memory_space<vmem_shared>>
          tpu.enqueue_indirect_dma source(%arg14 : memref<112x128xf32, #tpu.memory_space<vmem>>) target(%dma_start3A_139 : memref<10240x128xf32, #tpu.memory_space<vmem_shared>>) offsets(%arg12 : memref<112xi32, #tpu.memory_space<vmem>>) semaphore(%run_scoped3A : memref<!tpu.dma_semaphore, #tpu.memory_space<semaphore_mem>>) {add = true}
          %dma_wait3A_140 = arith.constant 0 : i32
          %dma_wait3A_141 = arith.constant 0 : i32
          %dma_wait3A_142 = tpu.memref_slice %arg15[%dma_wait3A_140, %dma_wait3A_141] : memref<10240x128xf32, #tpu.memory_space<vmem_shared>> -> memref<10240x128xf32, #tpu.memory_space<vmem_shared>>
          tpu.wait_indirect_dma semaphore(%run_scoped3A : memref<!tpu.dma_semaphore, #tpu.memory_space<semaphore_mem>>) src(%arg14 : memref<112x128xf32, #tpu.memory_space<vmem>>) dst(%dma_wait3A_142 : memref<10240x128xf32, #tpu.memory_space<vmem_shared>>)
          tpu.yield
        }) : () -> ()
        %add3A_129 = arith.constant 1 : i32
        %add3A_130 = arith.addi %scan3A_68, %add3A_129 : i32
        %lt3A_131 = arith.constant 45 : i32
        %lt3A_132 = arith.cmpi slt, %add3A_130, %lt3A_131 : i32
        %convert_element_type3A_133 = arith.extui %lt3A_132 : i1 to i32
        %cond3A_134 = arith.constant 0 : i32
        %cond3A_135 = arith.cmpi ne, %convert_element_type3A_133, %cond3A_134 : i32
        scf.if %cond3A_135 {
          %add3A_137 = arith.constant 2 : i32
          %add3A_138 = arith.addi %add3A_72, %add3A_137 : i32
          %dma_start3A_139 = arith.constant 0 : i32
          %dma_start3A_140 = tpu.memref_slice %arg5[%arg1, %add3A_138, %dma_start3A_139] : memref<16x90x112xi32, #tpu.memory_space<hbm>> -> memref<1x1x112xi32, #tpu.memory_space<hbm>>
          %dma_start3A_141 = tpu.memref_squeeze %dma_start3A_140 : memref<1x1x112xi32, #tpu.memory_space<hbm>> -> memref<112xi32, #tpu.memory_space<hbm>>
          %dma_start3A_142 = arith.constant 0 : i32
          %dma_start3A_143 = tpu.memref_slice %arg5[%arg1, %add3A_138, %dma_start3A_142] : memref<16x90x112xi32, #tpu.memory_space<hbm>> -> memref<1x1x112xi32, #tpu.memory_space<hbm>>
          %dma_start3A_144 = tpu.memref_squeeze %dma_start3A_143 : memref<1x1x112xi32, #tpu.memory_space<hbm>> -> memref<112xi32, #tpu.memory_space<hbm>>
          tpu.enqueue_dma source(%dma_start3A_144 : memref<112xi32, #tpu.memory_space<hbm>>) target(%arg12 : memref<112xi32, #tpu.memory_space<vmem>>) target_semaphore(%arg21 : memref<!tpu.dma_semaphore, #tpu.memory_space<semaphore_mem>>)
        } else {
        }
        %scan3A_136 = arith.constant 0 : i32
        scf.yield %scan3A_136 : i32
      }
      %scan3A_67 = arith.constant 45 : i32
    } else {
    }
    %barrier3A_14 = arith.constant 0 : index
    tpu.barrier barrier_id(%barrier3A_14)
    %eq3A_15 = arith.constant 0 : i32
    %eq3A_16 = arith.cmpi eq, %arg0, %eq3A_15 : i32
    %convert_element_type3A_17 = arith.extui %eq3A_16 : i1 to i32
    %cond3A_18 = arith.constant 0 : i32
    %cond3A_19 = arith.cmpi ne, %convert_element_type3A_17, %cond3A_18 : i32
    scf.if %cond3A_19 {
      %scan3A_25 = arith.constant 0 : i32
      %scan3A_26 = arith.constant 0 : i32
      %scan3A_27 = arith.constant 8 : i32
      %scan3A_28 = arith.addi %scan3A_26, %scan3A_27 : i32
      %scan3A_29 = arith.constant 1 : i32
      %scan3A_30 = scf.for %scan3A_32 = %scan3A_26 to %scan3A_28 step %scan3A_29 iter_args(%scan3A_33 = %scan3A_25) -> (i32)  : i32 {
        %mul3A_34 = arith.constant 80 : i32
        %mul3A_35 = arith.muli %scan3A_32, %mul3A_34 : i32
        %add3A = arith.addi %mul3A_0, %mul3A_35 : i32
        "tpu.region"() ({
          %run_scoped3A = tpu.sem_alloc : memref<!tpu.dma_semaphore, #tpu.memory_space<semaphore_mem>>
          %dma_start3A = arith.constant 0 : i32
          %dma_start3A_40 = arith.constant 0 : i32
          %dma_start3A_41 = tpu.memref_slice %arg13[%dma_start3A, %dma_start3A_40] : memref<112x128xf32, #tpu.memory_space<vmem>> -> memref<80x128xf32, #tpu.memory_space<vmem>>
          %dma_start3A_42 = arith.constant 0 : i32
          %dma_start3A_43 = tpu.memref_slice %arg15[%add3A, %dma_start3A_42] : memref<10240x128xf32, #tpu.memory_space<vmem_shared>> -> memref<80x128xf32, #tpu.memory_space<vmem_shared>>
          %dma_start3A_44 = arith.constant 0 : i32
          %dma_start3A_45 = arith.constant 0 : i32
          %dma_start3A_46 = tpu.memref_slice %arg13[%dma_start3A_44, %dma_start3A_45] : memref<112x128xf32, #tpu.memory_space<vmem>> -> memref<80x128xf32, #tpu.memory_space<vmem>>
          %dma_start3A_47 = arith.constant 0 : i32
          %dma_start3A_48 = tpu.memref_slice %arg15[%add3A, %dma_start3A_47] : memref<10240x128xf32, #tpu.memory_space<vmem_shared>> -> memref<80x128xf32, #tpu.memory_space<vmem_shared>>
          tpu.enqueue_dma source(%dma_start3A_48 : memref<80x128xf32, #tpu.memory_space<vmem_shared>>) target(%dma_start3A_46 : memref<80x128xf32, #tpu.memory_space<vmem>>) target_semaphore(%run_scoped3A : memref<!tpu.dma_semaphore, #tpu.memory_space<semaphore_mem>>)
          %dma_wait3A = arith.constant 0 : i32
          %dma_wait3A_49 = arith.constant 0 : i32
          %dma_wait3A_50 = tpu.memref_slice %arg13[%dma_wait3A, %dma_wait3A_49] : memref<112x128xf32, #tpu.memory_space<vmem>> -> memref<80x128xf32, #tpu.memory_space<vmem>>
          %dma_wait3A_51 = arith.constant 0 : i32
          %dma_wait3A_52 = tpu.memref_slice %arg15[%add3A, %dma_wait3A_51] : memref<10240x128xf32, #tpu.memory_space<vmem_shared>> -> memref<80x128xf32, #tpu.memory_space<vmem_shared>>
          %dma_wait3A_53 = arith.constant 0 : i32
          %dma_wait3A_54 = arith.constant 0 : i32
          %dma_wait3A_55 = tpu.memref_slice %arg13[%dma_wait3A_53, %dma_wait3A_54] : memref<112x128xf32, #tpu.memory_space<vmem>> -> memref<80x128xf32, #tpu.memory_space<vmem>>
          %dma_wait3A_56 = arith.constant 0 : i32
          %dma_wait3A_57 = tpu.memref_slice %arg15[%add3A, %dma_wait3A_56] : memref<10240x128xf32, #tpu.memory_space<vmem_shared>> -> memref<80x128xf32, #tpu.memory_space<vmem_shared>>
          tpu.wait_dma2 semaphore(%run_scoped3A : memref<!tpu.dma_semaphore, #tpu.memory_space<semaphore_mem>>) src(%dma_wait3A_57 : memref<80x128xf32, #tpu.memory_space<vmem_shared>>) dst(%dma_wait3A_55 : memref<80x128xf32, #tpu.memory_space<vmem>>)
          tpu.yield
        }) : () -> ()
        %mul3A_36 = arith.constant 80 : i32
        %mul3A_37 = arith.muli %scan3A_32, %mul3A_36 : i32
        %add3A_38 = arith.addi %mul3A_0, %mul3A_37 : i32
        "tpu.region"() ({
          %run_scoped3A = tpu.sem_alloc : memref<!tpu.dma_semaphore, #tpu.memory_space<semaphore_mem>>
          %dma_start3A = arith.constant 0 : i32
          %dma_start3A_40 = arith.constant 0 : i32
          %dma_start3A_41 = tpu.memref_slice %arg13[%dma_start3A, %dma_start3A_40] : memref<112x128xf32, #tpu.memory_space<vmem>> -> memref<80x128xf32, #tpu.memory_space<vmem>>
          %dma_start3A_42 = arith.constant 0 : i32
          %dma_start3A_43 = tpu.memref_slice %arg7[%add3A_38, %dma_start3A_42] : memref<10240x128xf32, #tpu.memory_space<hbm>> -> memref<80x128xf32, #tpu.memory_space<hbm>>
          %dma_start3A_44 = arith.constant 0 : i32
          %dma_start3A_45 = tpu.memref_slice %arg7[%add3A_38, %dma_start3A_44] : memref<10240x128xf32, #tpu.memory_space<hbm>> -> memref<80x128xf32, #tpu.memory_space<hbm>>
          %dma_start3A_46 = arith.constant 0 : i32
          %dma_start3A_47 = arith.constant 0 : i32
          %dma_start3A_48 = tpu.memref_slice %arg13[%dma_start3A_46, %dma_start3A_47] : memref<112x128xf32, #tpu.memory_space<vmem>> -> memref<80x128xf32, #tpu.memory_space<vmem>>
          tpu.enqueue_dma source(%dma_start3A_48 : memref<80x128xf32, #tpu.memory_space<vmem>>) target(%dma_start3A_45 : memref<80x128xf32, #tpu.memory_space<hbm>>) target_semaphore(%run_scoped3A : memref<!tpu.dma_semaphore, #tpu.memory_space<semaphore_mem>>)
          %dma_wait3A = arith.constant 0 : i32
          %dma_wait3A_49 = arith.constant 0 : i32
          %dma_wait3A_50 = tpu.memref_slice %arg13[%dma_wait3A, %dma_wait3A_49] : memref<112x128xf32, #tpu.memory_space<vmem>> -> memref<80x128xf32, #tpu.memory_space<vmem>>
          %dma_wait3A_51 = arith.constant 0 : i32
          %dma_wait3A_52 = tpu.memref_slice %arg7[%add3A_38, %dma_wait3A_51] : memref<10240x128xf32, #tpu.memory_space<hbm>> -> memref<80x128xf32, #tpu.memory_space<hbm>>
          %dma_wait3A_53 = arith.constant 0 : i32
          %dma_wait3A_54 = tpu.memref_slice %arg7[%add3A_38, %dma_wait3A_53] : memref<10240x128xf32, #tpu.memory_space<hbm>> -> memref<80x128xf32, #tpu.memory_space<hbm>>
          %dma_wait3A_55 = arith.constant 0 : i32
          %dma_wait3A_56 = arith.constant 0 : i32
          %dma_wait3A_57 = tpu.memref_slice %arg13[%dma_wait3A_55, %dma_wait3A_56] : memref<112x128xf32, #tpu.memory_space<vmem>> -> memref<80x128xf32, #tpu.memory_space<vmem>>
          tpu.wait_dma2 semaphore(%run_scoped3A : memref<!tpu.dma_semaphore, #tpu.memory_space<semaphore_mem>>) src(%dma_wait3A_57 : memref<80x128xf32, #tpu.memory_space<vmem>>) dst(%dma_wait3A_54 : memref<80x128xf32, #tpu.memory_space<hbm>>)
          tpu.yield
        }) : () -> ()
        %scan3A_39 = arith.constant 0 : i32
        scf.yield %scan3A_39 : i32
      }
      %scan3A_31 = arith.constant 8 : i32
    } else {
    }
    %eq3A_20 = arith.constant 1 : i32
    %eq3A_21 = arith.cmpi eq, %arg0, %eq3A_20 : i32
    %convert_element_type3A_22 = arith.extui %eq3A_21 : i1 to i32
    %cond3A_23 = arith.constant 0 : i32
    %cond3A_24 = arith.cmpi ne, %convert_element_type3A_22, %cond3A_23 : i32
    scf.if %cond3A_24 {
      %scan3A_25 = arith.constant 0 : i32
      %scan3A_26 = arith.constant 0 : i32
      %scan3A_27 = arith.constant 8 : i32
      %scan3A_28 = arith.addi %scan3A_26, %scan3A_27 : i32
      %scan3A_29 = arith.constant 1 : i32
      %scan3A_30 = scf.for %scan3A_32 = %scan3A_26 to %scan3A_28 step %scan3A_29 iter_args(%scan3A_33 = %scan3A_25) -> (i32)  : i32 {
        %mul3A_34 = arith.constant 80 : i32
        %mul3A_35 = arith.muli %scan3A_32, %mul3A_34 : i32
        %add3A = arith.addi %mul3A_0, %mul3A_35 : i32
        "tpu.region"() ({
          %run_scoped3A = tpu.sem_alloc : memref<!tpu.dma_semaphore, #tpu.memory_space<semaphore_mem>>
          %dma_start3A = arith.constant 0 : i32
          %dma_start3A_40 = arith.constant 0 : i32
          %dma_start3A_41 = tpu.memref_slice %arg13[%dma_start3A, %dma_start3A_40] : memref<112x128xf32, #tpu.memory_space<vmem>> -> memref<80x128xf32, #tpu.memory_space<vmem>>
          %dma_start3A_42 = arith.constant 0 : i32
          %dma_start3A_43 = tpu.memref_slice %arg15[%add3A, %dma_start3A_42] : memref<10240x128xf32, #tpu.memory_space<vmem_shared>> -> memref<80x128xf32, #tpu.memory_space<vmem_shared>>
          %dma_start3A_44 = arith.constant 0 : i32
          %dma_start3A_45 = arith.constant 0 : i32
          %dma_start3A_46 = tpu.memref_slice %arg13[%dma_start3A_44, %dma_start3A_45] : memref<112x128xf32, #tpu.memory_space<vmem>> -> memref<80x128xf32, #tpu.memory_space<vmem>>
          %dma_start3A_47 = arith.constant 0 : i32
          %dma_start3A_48 = tpu.memref_slice %arg15[%add3A, %dma_start3A_47] : memref<10240x128xf32, #tpu.memory_space<vmem_shared>> -> memref<80x128xf32, #tpu.memory_space<vmem_shared>>
          tpu.enqueue_dma source(%dma_start3A_48 : memref<80x128xf32, #tpu.memory_space<vmem_shared>>) target(%dma_start3A_46 : memref<80x128xf32, #tpu.memory_space<vmem>>) target_semaphore(%run_scoped3A : memref<!tpu.dma_semaphore, #tpu.memory_space<semaphore_mem>>)
          %dma_wait3A = arith.constant 0 : i32
          %dma_wait3A_49 = arith.constant 0 : i32
          %dma_wait3A_50 = tpu.memref_slice %arg13[%dma_wait3A, %dma_wait3A_49] : memref<112x128xf32, #tpu.memory_space<vmem>> -> memref<80x128xf32, #tpu.memory_space<vmem>>
          %dma_wait3A_51 = arith.constant 0 : i32
          %dma_wait3A_52 = tpu.memref_slice %arg15[%add3A, %dma_wait3A_51] : memref<10240x128xf32, #tpu.memory_space<vmem_shared>> -> memref<80x128xf32, #tpu.memory_space<vmem_shared>>
          %dma_wait3A_53 = arith.constant 0 : i32
          %dma_wait3A_54 = arith.constant 0 : i32
          %dma_wait3A_55 = tpu.memref_slice %arg13[%dma_wait3A_53, %dma_wait3A_54] : memref<112x128xf32, #tpu.memory_space<vmem>> -> memref<80x128xf32, #tpu.memory_space<vmem>>
          %dma_wait3A_56 = arith.constant 0 : i32
          %dma_wait3A_57 = tpu.memref_slice %arg15[%add3A, %dma_wait3A_56] : memref<10240x128xf32, #tpu.memory_space<vmem_shared>> -> memref<80x128xf32, #tpu.memory_space<vmem_shared>>
          tpu.wait_dma2 semaphore(%run_scoped3A : memref<!tpu.dma_semaphore, #tpu.memory_space<semaphore_mem>>) src(%dma_wait3A_57 : memref<80x128xf32, #tpu.memory_space<vmem_shared>>) dst(%dma_wait3A_55 : memref<80x128xf32, #tpu.memory_space<vmem>>)
          tpu.yield
        }) : () -> ()
        %mul3A_36 = arith.constant 80 : i32
        %mul3A_37 = arith.muli %scan3A_32, %mul3A_36 : i32
        %add3A_38 = arith.addi %mul3A_0, %mul3A_37 : i32
        "tpu.region"() ({
          %run_scoped3A = tpu.sem_alloc : memref<!tpu.dma_semaphore, #tpu.memory_space<semaphore_mem>>
          %dma_start3A = arith.constant 0 : i32
          %dma_start3A_40 = arith.constant 0 : i32
          %dma_start3A_41 = tpu.memref_slice %arg13[%dma_start3A, %dma_start3A_40] : memref<112x128xf32, #tpu.memory_space<vmem>> -> memref<80x128xf32, #tpu.memory_space<vmem>>
          %dma_start3A_42 = arith.constant 0 : i32
          %dma_start3A_43 = tpu.memref_slice %arg8[%add3A_38, %dma_start3A_42] : memref<10240x128xf32, #tpu.memory_space<hbm>> -> memref<80x128xf32, #tpu.memory_space<hbm>>
          %dma_start3A_44 = arith.constant 0 : i32
          %dma_start3A_45 = tpu.memref_slice %arg8[%add3A_38, %dma_start3A_44] : memref<10240x128xf32, #tpu.memory_space<hbm>> -> memref<80x128xf32, #tpu.memory_space<hbm>>
          %dma_start3A_46 = arith.constant 0 : i32
          %dma_start3A_47 = arith.constant 0 : i32
          %dma_start3A_48 = tpu.memref_slice %arg13[%dma_start3A_46, %dma_start3A_47] : memref<112x128xf32, #tpu.memory_space<vmem>> -> memref<80x128xf32, #tpu.memory_space<vmem>>
          tpu.enqueue_dma source(%dma_start3A_48 : memref<80x128xf32, #tpu.memory_space<vmem>>) target(%dma_start3A_45 : memref<80x128xf32, #tpu.memory_space<hbm>>) target_semaphore(%run_scoped3A : memref<!tpu.dma_semaphore, #tpu.memory_space<semaphore_mem>>)
          %dma_wait3A = arith.constant 0 : i32
          %dma_wait3A_49 = arith.constant 0 : i32
          %dma_wait3A_50 = tpu.memref_slice %arg13[%dma_wait3A, %dma_wait3A_49] : memref<112x128xf32, #tpu.memory_space<vmem>> -> memref<80x128xf32, #tpu.memory_space<vmem>>
          %dma_wait3A_51 = arith.constant 0 : i32
          %dma_wait3A_52 = tpu.memref_slice %arg8[%add3A_38, %dma_wait3A_51] : memref<10240x128xf32, #tpu.memory_space<hbm>> -> memref<80x128xf32, #tpu.memory_space<hbm>>
          %dma_wait3A_53 = arith.constant 0 : i32
          %dma_wait3A_54 = tpu.memref_slice %arg8[%add3A_38, %dma_wait3A_53] : memref<10240x128xf32, #tpu.memory_space<hbm>> -> memref<80x128xf32, #tpu.memory_space<hbm>>
          %dma_wait3A_55 = arith.constant 0 : i32
          %dma_wait3A_56 = arith.constant 0 : i32
          %dma_wait3A_57 = tpu.memref_slice %arg13[%dma_wait3A_55, %dma_wait3A_56] : memref<112x128xf32, #tpu.memory_space<vmem>> -> memref<80x128xf32, #tpu.memory_space<vmem>>
          tpu.wait_dma2 semaphore(%run_scoped3A : memref<!tpu.dma_semaphore, #tpu.memory_space<semaphore_mem>>) src(%dma_wait3A_57 : memref<80x128xf32, #tpu.memory_space<vmem>>) dst(%dma_wait3A_54 : memref<80x128xf32, #tpu.memory_space<hbm>>)
          tpu.yield
        }) : () -> ()
        %scan3A_39 = arith.constant 0 : i32
        scf.yield %scan3A_39 : i32
      }
      %scan3A_31 = arith.constant 8 : i32
    } else {
    }
    return
  }
}

module attributes {stable_mosaic.version = 14 : i64} {
  func.func @_tc_body(%arg0: i32, %arg1: memref<1024x128xf32, #tpu.memory_space<vmem>>, %arg2: memref<1024x128xf32, #tpu.memory_space<vmem>>, %arg3: memref<1024x1xf32, #tpu.memory_space<vmem>>, %arg4: memref<256x256xf32, #tpu.memory_space<vmem>>, %arg5: memref<1x256xf32, #tpu.memory_space<vmem>>, %arg6: memref<1x1xf32, #tpu.memory_space<vmem>>, %arg7: memref<1024x128xf32, #tpu.memory_space<vmem>>, %arg8: memref<1024x128xf32, #tpu.memory_space<vmem>>) attributes {dimension_semantics = [#tpu.dimension_semantics<arbitrary>], iteration_bounds = array<i64: 10>, scalar_prefetch = 0 : i64, scratch_operands = 0 : i64, tpu.core_type = #tpu.core_type<tc>, window_params = [{transform_indices = @transform_0, window_bounds = array<i64: 1024, 128>}, {transform_indices = @transform_1, window_bounds = array<i64: 1024, 128>}, {transform_indices = @transform_2, window_bounds = array<i64: 1024, 1>}, {pipeline_mode = #tpu.pipeline_mode<synchronous>, transform_indices = @transform_3, window_bounds = array<i64: 256, 256>}, {pipeline_mode = #tpu.pipeline_mode<synchronous>, transform_indices = @transform_4, window_bounds = array<i64: 1, 256>}, {pipeline_mode = #tpu.pipeline_mode<synchronous>, transform_indices = @transform_5, window_bounds = array<i64: 1, 1>}, {transform_indices = @transform_6, window_bounds = array<i64: 1024, 128>}, {transform_indices = @transform_7, window_bounds = array<i64: 1024, 128>}]} {
    %get3A = arith.constant 0 : index
    %get3A_0 = arith.constant 0 : index
    %get3A_1 = vector.load %arg1[%get3A, %get3A_0] : memref<1024x128xf32, #tpu.memory_space<vmem>>, vector<1024x128xf32>
    %get3A_2 = arith.constant 0 : index
    %get3A_3 = arith.constant 0 : index
    %get3A_4 = vector.load %arg2[%get3A_2, %get3A_3] : memref<1024x128xf32, #tpu.memory_space<vmem>>, vector<1024x128xf32>
    %concatenate3A = tpu.concatenate %get3A_1, %get3A_4 in 1 : vector<1024x128xf32>, vector<1024x128xf32> -> vector<1024x256xf32>
    %get3A_5 = arith.constant 0 : index
    %get3A_6 = arith.constant 0 : index
    %get3A_7 = vector.load %arg3[%get3A_5, %get3A_6] : memref<1024x1xf32, #tpu.memory_space<vmem>>, vector<1024x1xf32>
    %mul3A = vector.broadcast %get3A_7 : vector<1024x1xf32> to vector<1024x256xf32>
    %mul3A_8 = arith.mulf %concatenate3A, %mul3A : vector<1024x256xf32>
    %get3A_9 = arith.constant 0 : index
    %get3A_10 = arith.constant 0 : index
    %get3A_11 = vector.load %arg4[%get3A_9, %get3A_10] : memref<256x256xf32, #tpu.memory_space<vmem>>, vector<256x256xf32>
    %dot_general3A = arith.constant dense<0.000000e+00> : vector<1024x256xf32>
    %dot_general3A_12 = tpu.matmul %mul3A_8, %get3A_11, %dot_general3A {dimension_numbers = #tpu.dot_dimension_numbers<[1], [1], [0], [0], [0, 0, 1, 0], [], []>, transpose_lhs_hint = false} : vector<1024x256xf32>, vector<256x256xf32>, vector<1024x256xf32> -> vector<1024x256xf32>
    %get3A_13 = arith.constant 0 : index
    %get3A_14 = arith.constant 0 : index
    %get3A_15 = vector.load %arg5[%get3A_13, %get3A_14] : memref<1x256xf32, #tpu.memory_space<vmem>>, vector<1x256xf32>
    %add3A = vector.broadcast %get3A_15 : vector<1x256xf32> to vector<1024x256xf32>
    %add3A_16 = arith.addf %dot_general3A_12, %add3A : vector<1024x256xf32>
    %get3A_17 = arith.constant 0 : index
    %get3A_18 = arith.constant 0 : index
    %get3A_19 = vector.load %arg6[%get3A_17, %get3A_18] : memref<1x1xf32, #tpu.memory_space<vmem>>, vector<1x1xf32>
    %get3A_20 = vector.extract %get3A_19[0, 0] : f32 from vector<1x1xf32>
    %max3A = arith.constant 0.000000e+00 : f32
    %max3A_21 = vector.broadcast %max3A : f32 to vector<1024x256xf32>
    %max3A_22 = arith.maximumf %add3A_16, %max3A_21 : vector<1024x256xf32>
    %min3A = arith.constant 0.000000e+00 : f32
    %min3A_23 = vector.broadcast %min3A : f32 to vector<1024x256xf32>
    %min3A_24 = arith.minimumf %add3A_16, %min3A_23 : vector<1024x256xf32>
    %mul3A_25 = vector.broadcast %get3A_20 : f32 to vector<1024x256xf32>
    %mul3A_26 = arith.mulf %mul3A_25, %min3A_24 : vector<1024x256xf32>
    %add3A_27 = arith.addf %max3A_22, %mul3A_26 : vector<1024x256xf32>
    %slice3A = vector.extract_strided_slice %add3A_27 {offsets = [0, 0], sizes = [1024, 128], strides = [1, 1]} : vector<1024x256xf32> to vector<1024x128xf32>
    %swap3A = arith.constant 0 : index
    %swap3A_28 = arith.constant 0 : index
    %swap3A_29 = vector.load %arg7[%swap3A, %swap3A_28] : memref<1024x128xf32, #tpu.memory_space<vmem>>, vector<1024x128xf32>
    tpu.vector_store %arg7[%swap3A, %swap3A_28], %slice3A {strides = array<i32>} : memref<1024x128xf32, #tpu.memory_space<vmem>>, vector<1024x128xf32>,
    %slice3A_30 = vector.extract_strided_slice %add3A_27 {offsets = [0, 128], sizes = [1024, 128], strides = [1, 1]} : vector<1024x256xf32> to vector<1024x128xf32>
    %swap3A_31 = arith.constant 0 : index
    %swap3A_32 = arith.constant 0 : index
    %swap3A_33 = vector.load %arg8[%swap3A_31, %swap3A_32] : memref<1024x128xf32, #tpu.memory_space<vmem>>, vector<1024x128xf32>
    tpu.vector_store %arg8[%swap3A_31, %swap3A_32], %slice3A_30 {strides = array<i32>} : memref<1024x128xf32, #tpu.memory_space<vmem>>, vector<1024x128xf32>,
    return
  }
  func.func @transform_0(%arg0: i32) -> (i32, i32) {
    %c0_i32 = arith.constant 0 : i32
    %c0_i32_0 = arith.constant 0 : i32
    return %arg0, %c0_i32 : i32, i32
  }
  func.func @transform_1(%arg0: i32) -> (i32, i32) {
    %c0_i32 = arith.constant 0 : i32
    %c0_i32_0 = arith.constant 0 : i32
    return %arg0, %c0_i32 : i32, i32
  }
  func.func @transform_2(%arg0: i32) -> (i32, i32) {
    %c0_i32 = arith.constant 0 : i32
    %c0_i32_0 = arith.constant 0 : i32
    return %arg0, %c0_i32 : i32, i32
  }
  func.func @transform_3(%arg0: i32) -> (i32, i32) {
    %c0_i32 = arith.constant 0 : i32
    %c0_i32_0 = arith.constant 0 : i32
    %c0_i32_1 = arith.constant 0 : i32
    return %c0_i32, %c0_i32_0 : i32, i32
  }
  func.func @transform_4(%arg0: i32) -> (i32, i32) {
    %c0_i32 = arith.constant 0 : i32
    %c0_i32_0 = arith.constant 0 : i32
    %c0_i32_1 = arith.constant 0 : i32
    return %c0_i32, %c0_i32_0 : i32, i32
  }
  func.func @transform_5(%arg0: i32) -> (i32, i32) {
    %c0_i32 = arith.constant 0 : i32
    %c0_i32_0 = arith.constant 0 : i32
    %c0_i32_1 = arith.constant 0 : i32
    return %c0_i32, %c0_i32_0 : i32, i32
  }
  func.func @transform_6(%arg0: i32) -> (i32, i32) {
    %c0_i32 = arith.constant 0 : i32
    %c0_i32_0 = arith.constant 0 : i32
    return %arg0, %c0_i32 : i32, i32
  }
  func.func @transform_7(%arg0: i32) -> (i32, i32) {
    %c0_i32 = arith.constant 0 : i32
    %c0_i32_0 = arith.constant 0 : i32
    return %arg0, %c0_i32 : i32, i32
  }
}

</mosaic_0001>

<sc_bundles>
// kernel: body.8.cloned.1.call-start
scs
__scs_entry_jumppad:
0x0: {  	(pc) =	sbr.rel $0x88, $3  }
0x1: {  	(tag) =	ssettag $0x0;
	lr =	simm.s32 $0x1  }
0x2: {  	[smem:$0x3F9B] =	sst lr;
	_ =	strace $0xD0000000  }
0x3: {  	_ = 	snop  }
0x4: {  	_ = 	snop  }
0x5: {  	_ = 	snop  }
0x6: {  	_ = 	snop  }
0x7: {  	_ = 	snop  }
__scs_overlays_trampoline_lowered:
0x8: {  	[smem:$0x3FAA] =	sst s0  }
0x9: {  	[smem:$0x3FAB] =	sst s1  }
0xa: {  	[smem:$0x3FAC] =	sst s2  }
0xb: {  	[smem:$0x3FAD] =	sst s3  }
0xc: {  	[smem:$0x3FAE] =	sst s4  }
0xd: {  	[smem:$0x3FAF] =	sst s5  }
0xe: {  	[smem:$0x3FB0] =	sst s6  }
0xf: {  	[smem:$0x3FB1] =	sst s7  }
0x10: {  	[smem:$0x3FB2] =	sst s8  }
0x11: {  	[smem:$0x3FB3] =	sst s9;
	s0 =	simm.s32 @!p0 $0x0  }
0x12: {  	s1 =	sld [smem:$0x3F99];
	s0 =	simm.s32 @p0 $0x1  }
0x13: {  	[smem:$0x3FB4] =	sst s0;
	s0 =	simm.s32 @!p1 $0x0  }
0x14: {  	s2 =	sld [smem:$0x3F98];
	s0 =	simm.s32 @p1 $0x1  }
0x15: {  	[smem:$0x3FB5] =	sst s0;
	s0 =	simm.s32 @!p2 $0x0  }
0x16: {  	s3 =	sld [smem:$0x3FDB];
	s0 =	simm.s32 @p2 $0x1  }
0x17: {  	s4 =	simm.s32 $0x1BF5;
	[smem:$0x3FB7] =	sst s0  }
0x18: {  	s0 =	sld [smem:$0x3F9A];
	_ =	swait.ge [sflag:s4], $0x0  }
0x19: {  	s7 =	sld [smem:$0x3F9B]  }
0x1a: {  	s8 =	sadd.s32 $0xFFFFE003, lr  }
0x1b: {  	s9 =	sadd.s32 $0xFFFFFEF7, lr;
	s5 =	simm.s32 $0xFFFFFFFF;
	p2 =	slt.u32 s8, $0xFFFFF086  }
0x1c: {  	p1 =	slt.u32 s9, $0xF7A;
	s5 =	simm.s32 @!p2 $0x0  }
0x1d: {  	s5 =	simm.s32 @p1 $0x1;
	p0 =	seq.s32 s7, s2  }
0x1e: {  	s7 =	smul.u32 @!p0 $0xF7A, s2;
	p2 =	seq.s32 @!p0 s5, $0x0  }
0x1f: {  	s9 =	smul.u32 $0xF7A, s1;
	s8 =	simm.s32 @!p0 $0x1BF5;
	p2 =	por !p2, p0  }
0x20: {  	[sflag:s8] =	ssyncset.s32 @!p0 $0xFFFFF086;
	s6 =	sadd.s32 @!p0 s3, s7;
	s7 =	simm.s32 @!p0 $0x108  }
0x21: {  	s3 =	sadd.s32 s3, s9;
	s6 =	sadd.s32 @!p0 $0x88, s6;
	s7 =	simm.s32 @p2 $0x1082  }
0x22: {  	[simem:s7], [sflag:s8] =	dma.local @!p0 [hbm:s6], $0xF7A  }
0x23: {  	s9 =	sor.u32 $0xD0000000, s2;
	s6 =	simm.s32 $0x108;
	_ =	swait.ge @!p0 [sflag:s8], $0x0  }
0x24: {  	s3 =	sadd.s32 $0x88, s3;
	s6 =	simm.s32 @!p1 $0x1082;
	[sflag:s4] =	ssyncset.s32 $0xFFFFF086  }
0x25: {  	[simem:s6], [sflag:s4] =	dma.local [hbm:s3], $0xF7A  }
0x26: {  	[smem:$0x3F9B] =	sst s1;
	(tag) =	ssettag s2;
	_ =	strace s9  }
0x27: {  	s1 =	sld [smem:$0x3FAB]  }
0x28: {  	s2 =	sld [smem:$0x3FAC]  }
0x29: {  	s4 =	sld [smem:$0x3FAE]  }
0x2a: {  	p0 =	seq.s32 s5, $0x0;
	s5 =	sld [smem:$0x3FAF]  }
0x2b: {  	s6 =	sld [smem:$0x3FB0]  }
0x2c: {  	s7 =	sld [smem:$0x3FB1]  }
0x2d: {  	s3 =	simm.s32 $0x108;
	s8 =	sld [smem:$0x3FB2]  }
0x2e: {  	s3 =	simm.s32 @!p0 $0x1082;
	s9 =	sld [smem:$0x3FB3]  }
0x2f: {  	lr =	sadd.s32 s0, s3;
	s0 =	sld [smem:$0x3FAA]  }
0x30: {  	s3 =	sld [smem:$0x3FAD]  }
0x31: {  	[smem:$0x3FB6] =	sst s10  }
0x32: {  	s10 =	sld [smem:$0x3FB4];
	_ =	sdelay $0x3  }
0x33: {  	p0 =	seq.s32 s10, $0x1;
	s10 =	sld [smem:$0x3FB6];
	_ =	sdelay $0x3  }
0x34: {  	[smem:$0x3FB6] =	sst s10  }
0x35: {  	s10 =	sld [smem:$0x3FB5];
	_ =	sdelay $0x3  }
0x36: {  	p1 =	seq.s32 s10, $0x1;
	s10 =	sld [smem:$0x3FB6];
	_ =	sdelay $0x3  }
0x37: {  	[smem:$0x3FB6] =	sst s10  }
0x38: {  	s10 =	sld [smem:$0x3FB7]  }
0x39: {  	_ = 	snop;
	(pc) =	sbr.ind lr, $3  }
0x3a: {  	_ = 	snop  }
0x3b: {  	_ = 	snop  }
0x3c: {  	p2 =	seq.s32 s10, $0x1;
	s10 =	sld [smem:$0x3FB6]  }
0x3d: {  	_ =	shalt  }
0x3e: {  	_ =	shalt  }
0x3f: {  	_ =	shalt  }
0x40: {  	_ =	shalt  }
0x41: {  	_ =	shalt  }
0x42: {  	_ =	shalt  }
0x43: {  	_ =	shalt  }
0x44: {  	_ =	shalt  }
0x45: {  	_ =	shalt  }
0x46: {  	_ =	shalt  }
0x47: {  	_ =	shalt  }
0x48: {  	_ =	shalt  }
0x49: {  	_ =	shalt  }
0x4a: {  	_ =	shalt  }
0x4b: {  	_ =	shalt  }
0x4c: {  	_ =	shalt  }
0x4d: {  	_ =	shalt  }
0x4e: {  	_ =	shalt  }
0x4f: {  	_ =	shalt  }
0x50: {  	_ =	shalt  }
0x51: {  	_ =	shalt  }
0x52: {  	_ =	shalt  }
0x53: {  	_ =	shalt  }
0x54: {  	_ =	shalt  }
0x55: {  	_ =	shalt  }
0x56: {  	_ =	shalt  }
0x57: {  	_ =	shalt  }
0x58: {  	_ =	shalt  }
0x59: {  	_ =	shalt  }
0x5a: {  	_ =	shalt  }
0x5b: {  	_ =	shalt  }
0x5c: {  	_ =	shalt  }
0x5d: {  	_ =	shalt  }
0x5e: {  	_ =	shalt  }
0x5f: {  	_ =	shalt  }
0x60: {  	_ =	shalt  }
0x61: {  	_ =	shalt  }
0x62: {  	_ =	shalt  }
0x63: {  	_ =	shalt  }
0x64: {  	_ =	shalt  }
0x65: {  	_ =	shalt  }
0x66: {  	_ =	shalt  }
0x67: {  	_ =	shalt  }
0x68: {  	_ =	shalt  }
0x69: {  	_ =	shalt  }
0x6a: {  	_ =	shalt  }
0x6b: {  	_ =	shalt  }
0x6c: {  	_ =	shalt  }
0x6d: {  	_ =	shalt  }
0x6e: {  	_ =	shalt  }
0x6f: {  	_ =	shalt  }
0x70: {  	_ =	shalt  }
0x71: {  	_ =	shalt  }
0x72: {  	_ =	shalt  }
0x73: {  	_ =	shalt  }
0x74: {  	_ =	shalt  }
0x75: {  	_ =	shalt  }
0x76: {  	_ =	shalt  }
0x77: {  	_ =	shalt  }
0x78: {  	_ =	shalt  }
0x79: {  	_ =	shalt  }
0x7a: {  	_ =	shalt  }
0x7b: {  	_ =	shalt  }
0x7c: {  	_ =	shalt  }
0x7d: {  	_ =	shalt  }
0x7e: {  	_ =	shalt  }
0x7f: {  	_ =	shalt  }
0x80: {  	_ =	shalt  }
0x81: {  	_ =	shalt  }
0x82: {  	_ =	shalt  }
0x83: {  	_ =	shalt  }
0x84: {  	_ =	shalt  }
0x85: {  	_ =	shalt  }
0x86: {  	_ =	shalt  }
0x87: {  	_ =	shalt  }
.Lfunc_end0:
.L_simem_size_0:
called_computation_lowered:
.L_overlay_start_0:
0x88: {  	s2 =	sld [smem:$0x3FD9]  }
0x89: {  	s3 =	sld [smem:$0x3FFE];
	_ =	sdelay $0x1  }
0x8a: {  	s1 =	srdreg.scid  }
0x8b: {  	s0 =	sand.u32 $0x1, s1  }
0x8c: {  	s17 =	sshll.u32 s0, $0xA;
	s2 =	sadd.s32 s3, s2  }
0x8d: {  	s2 =	sadd.s32 s2, s17  }
0x8e: {  	[smem:$0x3FC2] =	sst s2  }
0x8f: {  	_ = 	snop  }
0x90: {  	s2 =	sld [smem:$0x3FD0];
	(tm) =	ssettm $0x1  }
0x91: {  	s18 =	sld [smem:$0x3FFB];
	_ =	sdelay $0x3  }
0x92: {  	_ =	strace s18  }
0x93: {  	s3 =	sld [smem:$0x3FFC];
	_ =	sdelay $0x3  }
0x94: {  	_ =	strace s3  }
0x95: {  	s3 =	sld [smem:$0x3FFD];
	_ =	sdelay $0x3  }
0x96: {  	_ =	strace s3  }
0x97: {  	_ =	strace $0x8FFFFFFF  }
0x98: {  	s19 =	sld [smem:$0x3FDB];
	_ =	sdelay $0x1  }
0x99: {  	s4 =	simm.s32 $_scs_section_size  }
0x9a: {  	s5 =	simm.s32 $_size__tile_overlayer_lowered;
	s6 =	simm.s32 $_tile_overlayer_lowered  }
0x9b: {  	s22 =	simm.s32 $0x1BFF;
	s21 =	sshll.u32 s6, $0x1;
	s3 =	sadd.s32 s4, s19  }
0x9c: {  	s7 =	simm.s32 $0x0;
	s20 =	sshll.u32 s5, $0x1;
	s5 =	sadd.s32 s21, s3  }
0x9d: {  	[timem:s7], [sflag:s22] =	dma.local [hbm:s5], s20  }
0x9e: {  	_ =	swait.ge [sflag:s22], s20  }
0x9f: {  	s4 =	ssub.s32 $0x0, s20;
	[sflag:s22] =	ssyncset.done $0x0  }
0xa0: {  	[sflag:s22] =	ssyncadd.s32 s4;
	_ =	sdelay $0x1  }
0xa1: {  	s23 =	simm.s32 $0x1B8B  }
0xa2: {  	_ =	swait.ge [sflag:s23], $0x1  }
0xa3: {  	[sflag:s23] =	ssyncset.done $0x0  }
0xa4: {  	s25 =	simm.s32 $0x1B8E;
	s24 =	sld [smem:$0x3FFE];
	[sflag:s23] =	ssyncadd.s32 $0xFFFFFFFF  }
0xa5: {  	s26 =	simm.s32 $execute0_lowered;
	[smem:$0x3FD2] =	sst s25  }
0xa6: {  	s5 =	sshll.u32 s26, $0x1;
	_ =	strace $0x80000049;
	[dreg:$0x1] =	wrdreg $0xFFFFFFFF  }
0xa7: {  	s28 =	simm.s32 $_size_execute0_lowered;
	s3 =	sadd.s32 s3, s5;
	[dreg:$0x0] =	wrdreg $0x0  }
0xa8: {  	s5 =	sshll.u32 s28, $0x1;
	[dreg:$0x2] =	wrdreg s3  }
0xa9: {  	[dreg:$0x3] =	wrdreg s5  }
0xaa: {  	[dreg:$0x4] =	wrdreg $0xC0  }
0xab: {  	_ =	task [dreg:s7], $0x5FFFF  }
0xac: {  	[dreg:$0x1] =	wrdreg $0xFFFFFFFF  }
0xad: {  	[dreg:$0x0] =	wrdreg $0x60  }
0xae: {  	[dreg:$0x2] =	wrdreg s2  }
0xaf: {  	[dreg:$0x3] =	wrdreg s24  }
0xb0: {  	[dreg:$0x4] =	wrdreg $0x72000  }
0xb1: {  	[dreg:$0x5] =	wrdreg $0x9  }
0xb2: {  	_ =	task.clear_ibuf [dreg:s7], $0x6FFFF;
	_ =	strace $0x90000049  }
0xb3: {  	s29 =	simm.s32 $0x9;
	_ =	strace $0x8000004B  }
0xb4: {  	_ =	swait.ge [sflag:s29], $0x1  }
0xb5: {  	[sflag:s29] =	ssyncadd.s32 $0xFFFFFFFF  }
0xb6: {  	_ =	strace $0x9000004B  }
0xb7: {  	_ =	sfence  }
0xb8: {  	s30 =	sld [smem:$0x0];
	_ =	sdelay $0x2  }
0xb9: {  	s31 =	sshll.u32 s1, $0xD;
	s1 =	sshrl.u32 s1, $0x2  }
0xba: {  	s3 =	sand.u32 $0x4000, s31;
	s1 =	sadd.s32 s1, s30  }
0xbb: {  	s0 =	sor.u32 s3, s0;
	s1 =	sshll.u32 s1, $0x11  }
0xbc: {  	s0 =	sor.u32 s1, s0  }
0xbd: {  	s0 =	sadd.s32 $0x8F2B, s0  }
0xbe: {  	[sflag:s0] =	ssyncadd.remote.s32 $0x1  }
0xbf: {  	_ =	sfence.sel $0xFFFF  }
0xc0: {  	[dreg:$0x0] =	wrdreg $0xFFFFFFFF;
	(pc) =	sbr.abs _section_cstart, $3  }
0xc1: {  	[dreg:$0x1] =	wrdreg $0xFFFFFFFF  }
0xc2: {  	_ =	task.clear_ibuf [dreg:s7], $0x2FFFF;
	_ =	strace $0x9FFFFFFF  }
0xc3: {  	(tm) =	ssettm $0x7FFFFFFF  }
tec
execute0_lowered:
.L_overlay_start_1:
0x0: {  	(tag) =	ssettag $0x1  }
0x1: {  	s1 =	rddreg [dreg:$0x0]  }
0x2: {  	s0 =	rddreg [dreg:$0x1]  }
0x3: {  	s2 =	rddreg [dreg:$0x2];
	s3 =	simm.s32 $0x0  }
0x4: {  	s4 =	srdreg.scid;
	s17 =	stileid.u32;
	s28 =	simm.s32 $0x5  }
0x5: {  	s29 =	simm.s32 $0x6;
	s30 =	simm.s32 $0x0;
	[smem:$0x7FF] =	sst s3  }
0x6: {  	s5 =	sadd.s32 $0x2A00, s0;
	s6 =	sadd.s32 $0x2AA00, s0;
	s7 =	sadd.s32 $0x30A00, s0  }
0x7: {  	s4 =	sand.u32 $0x1, s4;
	s8 =	smul.u32 $0x3000, s17;
	s9 =	sadd.s32 $0x36A00, s0  }
0x8: {  	s21 =	sadd.s32 $0x53400, s0;
	_ =	strace $0x8000004A;
	[dreg:$0x4] =	wrdreg s9  }
0x9: {  	s0 =	sadd.s32 $0x7B400, s0;
	s24 =	smul.u32 $0x280, s17;
	[dreg:$0x5] =	wrdreg s21  }
0xa: {  	s26 =	smul.u32 $0x50000, s17;
	s22 =	ssub.s32 $0x2, s4;
	[dreg:$0x6] =	wrdreg s0  }
0xb: {  	p0 =	sne.s32 s4, $0x0;
	s23 =	sshrl.u32 s22, $0x1;
	s10 =	sshrl.u32 s8, $0x3  }
0xc: {  	s13 =	sshrl.u32 s26, $0x2;
	s21 =	sadd.s32 $0x190, s24;
	s9 =	sadd.s32 $0x230, s24  }
0xd: {  	s0 =	ssub.s32 s22, s23;
	s11 =	sadd.s32 s6, s10;
	s25 =	sadd.s32 s7, s10  }
0xe: {  	s10 =	sor.u32 $0x10, s10;
	s18 =	sadd.s32 s13, s2;
	s13 =	sadd.s32 $0x140, s24  }
0xf: {  	s26 =	sshll.u32 s21, $0x7;
	s4 =	sshll.u32 s21, $0x4;
	[dreg:$0x7] =	wrdreg s11  }
0x10: {  	[dreg:$0x8] =	wrdreg s25;
	s12 =	sadd.s32 s6, s10;
	s10 =	sadd.s32 s7, s10  }
0x11: {  	s0 =	smax.u32 s0, $0x1;
	s25 =	sadd.s32 $0x1E0, s24;
	[dreg:$0x10] =	wrdreg s4  }
0x12: {  	s4 =	smov.u32 s18;
	s18 =	sshll.u32 s13, $0x4;
	[dreg:$0x9] =	wrdreg s12  }
0x13: {  	s11 =	simm.s32 $0x7;
	[dreg:$0xa] =	wrdreg s10;
	s10 =	sor.u32 $0x50, s24  }
0x14: {  	[dreg:$0xb] =	wrdreg s0;
	s0 =	sadd.s32 $0xA0, s24;
	s12 =	sadd.s32 $0xF0, s24  }
0x15: {  	s24 =	sadd.s32 s26, s2;
	[dreg:$0x11] =	wrdreg s18;
	s26 =	smul.u32 $0x2800, s17  }
0x16: {  	s14 =	sshll.u32 s10, $0x7;
	s15 =	sshll.u32 s0, $0x7;
	s16 =	sshll.u32 s12, $0x7  }
0x17: {  	s21 =	sshll.u32 s12, $0x4;
	s0 =	sshll.u32 s0, $0x4;
	s12 =	simm.s32 $0x80  }
0x18: {  	s19 =	sadd.s32 s14, s2;
	s14 =	sshll.u32 s13, $0x7;
	s20 =	sadd.s32 s15, s2  }
0x19: {  	s31 =	sadd.s32 s16, s2;
	s15 =	sshll.u32 s25, $0x7;
	[dreg:$0x12] =	wrdreg s21  }
0x1a: {  	s16 =	sshll.u32 s9, $0x7;
	s9 =	sshll.u32 s9, $0x4;
	[dreg:$0x13] =	wrdreg s0  }
0x1b: {  	[dreg:$0x15] =	wrdreg s26;
	s13 =	simm.s32 $0x180;
	s26 =	simm.s32 $0x3A00  }
0x1c: {  	s22 =	sadd.s32 s14, s2;
	s14 =	smov.u32 s19;
	s23 =	sadd.s32 s16, s2  }
.Ltmp0:
0x1d: {  	[dreg:$0xe] =	wrdreg s9;
	s16 =	sshll.u32 s25, $0x4;
	(pc) =	sbr.rel .LBB2_1-.Ltmp0, $4  }
0x1e: {  	s19 =	sadd.s32 s15, s2;
	s25 =	sshll.u32 s10, $0x4;
	[dreg:$0xf] =	wrdreg s16  }
0x1f: {  	s17 =	smov.u32 s20;
	s10 =	simm.s32 $0x200;
	[dreg:$0x14] =	wrdreg s25  }
0x20: {  	s9 =	simm.s32 $0x100;
	s15 =	simm.s32 $0x70;
	[dreg:$0xc] =	wrdreg s19  }
0x21: {  	s16 =	simm.s32 $0x1;
	s25 =	simm.s32 $0x4;
	[dreg:$0xd] =	wrdreg s23  }
.LBB2_7:
0x22: {  	s31 =	rddreg [dreg:$0x6]  }
0x23: {  	s31 =	smov.u32 @p1 s31  }
.LBB2_8:
0x24: {  	[bflag:$0x0] =	sbarrier.arrive $0xFFFF  }
0x25: {  	[tilespmem:s10], [sflag:$0x7] =	stream.linear.gather [spmem:s18], $0x2800, $0x38;
	[tilespmem:$0x1B200] =	vst v63  }
0x26: {  	_ =	swait.ge [sflag:s11], $0x2800  }
0x27: {  	[sflag:s11] =	ssyncset.done $0x0;
	s0 =	rddreg [dreg:$0x15]  }
0x28: {  	s0 =	sadd.s32 s31, s0;
	[sflag:s11] =	ssyncadd.s32 $0xFFFFD800  }
0x29: {  	[hbm4b:s0+s3] =	stream.linear.scatter [tilespmem:s10], [sflag:$0x7], $0x2800, $0x38;
	[tilespmem:$0x1B200] =	vst v63  }
0x2a: {  	_ =	swait.ge [sflag:s11], $0x2800  }
0x2b: {  	[sflag:s11] =	ssyncset.done $0x0  }
0x2c: {  	[sflag:s11] =	ssyncadd.s32 $0xFFFFD800  }
0x2d: {  	[tilespmem:s10], [sflag:$0x7] =	stream.linear.gather [spmem:s19], $0x2800, $0x38;
	[tilespmem:$0x1B200] =	vst v63  }
0x2e: {  	_ =	swait.ge [sflag:s11], $0x2800  }
0x2f: {  	[sflag:s11] =	ssyncset.done $0x0;
	s17 =	rddreg [dreg:$0x14]  }
0x30: {  	s0 =	sadd.s32 s31, s17;
	[sflag:s11] =	ssyncadd.s32 $0xFFFFD800  }
0x31: {  	[hbm4b:s0+s3] =	stream.linear.scatter [tilespmem:s10], [sflag:$0x7], $0x2800, $0x38;
	[tilespmem:$0x1B200] =	vst v63  }
0x32: {  	_ =	swait.ge [sflag:s11], $0x2800  }
0x33: {  	[sflag:s11] =	ssyncset.done $0x0  }
0x34: {  	[sflag:s11] =	ssyncadd.s32 $0xFFFFD800  }
0x35: {  	[tilespmem:s10], [sflag:$0x7] =	stream.linear.gather [spmem:s20], $0x2800, $0x38;
	[tilespmem:$0x1B200] =	vst v63  }
0x36: {  	_ =	swait.ge [sflag:s11], $0x2800  }
0x37: {  	s4 =	smov.u32 s18;
	[sflag:s11] =	ssyncset.done $0x0;
	s18 =	rddreg [dreg:$0x13]  }
0x38: {  	s0 =	sadd.s32 s31, s18;
	[sflag:s11] =	ssyncadd.s32 $0xFFFFD800  }
0x39: {  	[hbm4b:s0+s3] =	stream.linear.scatter [tilespmem:s10], [sflag:$0x7], $0x2800, $0x38;
	[tilespmem:$0x1B200] =	vst v63  }
0x3a: {  	_ =	swait.ge [sflag:s11], $0x2800  }
0x3b: {  	[sflag:s11] =	ssyncset.done $0x0  }
0x3c: {  	[sflag:s11] =	ssyncadd.s32 $0xFFFFD800  }
0x3d: {  	[tilespmem:s10], [sflag:$0x7] =	stream.linear.gather [spmem:s21], $0x2800, $0x38;
	[tilespmem:$0x1B200] =	vst v63  }
0x3e: {  	_ =	swait.ge [sflag:s11], $0x2800  }
0x3f: {  	s14 =	smov.u32 s19;
	[sflag:s11] =	ssyncset.done $0x0;
	s19 =	rddreg [dreg:$0x12]  }
0x40: {  	s0 =	sadd.s32 s31, s19;
	[sflag:s11] =	ssyncadd.s32 $0xFFFFD800  }
0x41: {  	[hbm4b:s0+s3] =	stream.linear.scatter [tilespmem:s10], [sflag:$0x7], $0x2800, $0x38;
	[tilespmem:$0x1B200] =	vst v63  }
0x42: {  	_ =	swait.ge [sflag:s11], $0x2800  }
0x43: {  	[sflag:s11] =	ssyncset.done $0x0  }
0x44: {  	[sflag:s11] =	ssyncadd.s32 $0xFFFFD800  }
0x45: {  	[tilespmem:s10], [sflag:$0x7] =	stream.linear.gather [spmem:s23], $0x2800, $0x38;
	[tilespmem:$0x1B200] =	vst v63  }
0x46: {  	_ =	swait.ge [sflag:s11], $0x2800  }
0x47: {  	s17 =	smov.u32 s20;
	[sflag:s11] =	ssyncset.done $0x0;
	s20 =	rddreg [dreg:$0x11]  }
0x48: {  	s0 =	sadd.s32 s31, s20;
	[sflag:s11] =	ssyncadd.s32 $0xFFFFD800  }
0x49: {  	[hbm4b:s0+s3] =	stream.linear.scatter [tilespmem:s10], [sflag:$0x7], $0x2800, $0x38;
	[tilespmem:$0x1B200] =	vst v63  }
0x4a: {  	_ =	swait.ge [sflag:s11], $0x2800  }
0x4b: {  	[sflag:s11] =	ssyncset.done $0x0  }
0x4c: {  	[sflag:s11] =	ssyncadd.s32 $0xFFFFD800  }
0x4d: {  	[tilespmem:s10], [sflag:$0x7] =	stream.linear.gather [spmem:s24], $0x2800, $0x38;
	[tilespmem:$0x1B200] =	vst v63  }
0x4e: {  	_ =	swait.ge [sflag:s11], $0x2800  }
0x4f: {  	s22 =	smov.u32 s23;
	[sflag:s11] =	ssyncset.done $0x0;
	s23 =	rddreg [dreg:$0x10]  }
0x50: {  	s0 =	sadd.s32 s31, s23;
	[sflag:s11] =	ssyncadd.s32 $0xFFFFD800  }
0x51: {  	[hbm4b:s0+s3] =	stream.linear.scatter [tilespmem:s10], [sflag:$0x7], $0x2800, $0x38;
	[tilespmem:$0x1B200] =	vst v63  }
0x52: {  	_ =	swait.ge [sflag:s11], $0x2800  }
0x53: {  	[sflag:s11] =	ssyncset.done $0x0  }
0x54: {  	s19 =	rddreg [dreg:$0xc];
	[sflag:s11] =	ssyncadd.s32 $0xFFFFD800  }
0x55: {  	[tilespmem:s10], [sflag:$0x7] =	stream.linear.gather [spmem:s19], $0x2800, $0x38;
	[tilespmem:$0x1B200] =	vst v63  }
0x56: {  	_ =	swait.ge [sflag:s11], $0x2800  }
0x57: {  	[sflag:s11] =	ssyncset.done $0x0;
	s18 =	rddreg [dreg:$0xf]  }
0x58: {  	s0 =	sadd.s32 s31, s18;
	[sflag:s11] =	ssyncadd.s32 $0xFFFFD800  }
0x59: {  	[hbm4b:s0+s3] =	stream.linear.scatter [tilespmem:s10], [sflag:$0x7], $0x2800, $0x38;
	[tilespmem:$0x1B200] =	vst v63  }
0x5a: {  	_ =	swait.ge [sflag:s11], $0x2800  }
0x5b: {  	[sflag:s11] =	ssyncset.done $0x0  }
0x5c: {  	s23 =	rddreg [dreg:$0xd];
	[sflag:s11] =	ssyncadd.s32 $0xFFFFD800  }
0x5d: {  	[tilespmem:s10], [sflag:$0x7] =	stream.linear.gather [spmem:s23], $0x2800, $0x38;
	[tilespmem:$0x1B200] =	vst v63  }
0x5e: {  	_ =	swait.ge [sflag:s11], $0x2800  }
0x5f: {  	[sflag:s11] =	ssyncset.done $0x0;
	s20 =	rddreg [dreg:$0xe]  }
0x60: {  	s0 =	sadd.s32 s31, s20;
	[sflag:s11] =	ssyncadd.s32 $0xFFFFD800  }
0x61: {  	[hbm4b:s0+s3] =	stream.linear.scatter [tilespmem:s10], [sflag:$0x7], $0x2800, $0x38;
	[tilespmem:$0x1B200] =	vst v63  }
0x62: {  	_ =	swait.ge [sflag:s11], $0x2800  }
0x63: {  	s30 =	sadd.s32 $0x1, s30;
	s31 =	smov.u32 s21;
	s21 =	rddreg [dreg:$0xb]  }
0x64: {  	p1 =	sne.s32 s30, s21  }
.Ltmp1:
0x65: {  	_ = 	snop;
	(pc) =	sbr.rel @!p1 .LBB2_9-.Ltmp1, $3  }
0x66: {  	_ =	sdelay $0x1  }
0x67: {  	[sflag:s11] =	ssyncset.done $0x0  }
0x68: {  	[sflag:s11] =	ssyncadd.s32 $0xFFFFD800  }
.LBB2_1:
0x69: {  	s0 =	rddreg [dreg:$0x4]  }
0x6a: {  	[tilespmem:s10], [sflag:$0x7] =	stream.linear.gather [hbm4b:s0+s3], $0x2800, $0x38;
	[tilespmem:$0x1B200] =	vst v63  }
0x6b: {  	_ =	swait.ge [sflag:s11], $0x2800  }
0x6c: {  	[sflag:s11] =	ssyncset.done $0x0  }
0x6d: {  	[sflag:s11] =	ssyncadd.s32 $0xFFFFD800  }
0x6e: {  	[spmem:s4] =	stream.linear.scatter [tilespmem:s10], [sflag:$0x7], $0x2800, $0x38;
	[tilespmem:$0x1B200] =	vst v63  }
0x6f: {  	_ =	swait.ge [sflag:s11], $0x2800  }
0x70: {  	[sflag:s11] =	ssyncset.done $0x0  }
0x71: {  	[sflag:s11] =	ssyncadd.s32 $0xFFFFD800  }
0x72: {  	[spmem:s14] =	stream.linear.scatter [tilespmem:s10], [sflag:$0x7], $0x2800, $0x38;
	[tilespmem:$0x1B200] =	vst v63  }
0x73: {  	_ =	swait.ge [sflag:s11], $0x2800  }
0x74: {  	[sflag:s11] =	ssyncset.done $0x0  }
0x75: {  	[sflag:s11] =	ssyncadd.s32 $0xFFFFD800  }
0x76: {  	[spmem:s17] =	stream.linear.scatter [tilespmem:s10], [sflag:$0x7], $0x2800, $0x38;
	[tilespmem:$0x1B200] =	vst v63  }
0x77: {  	_ =	swait.ge [sflag:s11], $0x2800  }
0x78: {  	[sflag:s11] =	ssyncset.done $0x0  }
0x79: {  	[sflag:s11] =	ssyncadd.s32 $0xFFFFD800  }
0x7a: {  	[spmem:s31] =	stream.linear.scatter [tilespmem:s10], [sflag:$0x7], $0x2800, $0x38;
	[tilespmem:$0x1B200] =	vst v63  }
0x7b: {  	_ =	swait.ge [sflag:s11], $0x2800  }
0x7c: {  	[sflag:s11] =	ssyncset.done $0x0  }
0x7d: {  	[sflag:s11] =	ssyncadd.s32 $0xFFFFD800  }
0x7e: {  	[spmem:s22] =	stream.linear.scatter [tilespmem:s10], [sflag:$0x7], $0x2800, $0x38;
	[tilespmem:$0x1B200] =	vst v63  }
0x7f: {  	_ =	swait.ge [sflag:s11], $0x2800  }
0x80: {  	[sflag:s11] =	ssyncset.done $0x0  }
0x81: {  	[sflag:s11] =	ssyncadd.s32 $0xFFFFD800  }
0x82: {  	[spmem:s24] =	stream.linear.scatter [tilespmem:s10], [sflag:$0x7], $0x2800, $0x38;
	[tilespmem:$0x1B200] =	vst v63  }
0x83: {  	_ =	swait.ge [sflag:s11], $0x2800  }
0x84: {  	[sflag:s11] =	ssyncset.done $0x0  }
0x85: {  	s18 =	smov.u32 s4;
	s4 =	smov.u32 s19;
	[sflag:s11] =	ssyncadd.s32 $0xFFFFD800  }
0x86: {  	[spmem:s4] =	stream.linear.scatter [tilespmem:s10], [sflag:$0x7], $0x2800, $0x38;
	[tilespmem:$0x1B200] =	vst v63  }
0x87: {  	_ =	swait.ge [sflag:s11], $0x2800  }
0x88: {  	[sflag:s11] =	ssyncset.done $0x0  }
0x89: {  	s0 =	smov.u32 s23;
	[sflag:s11] =	ssyncadd.s32 $0xFFFFD800  }
0x8a: {  	[spmem:s0] =	stream.linear.scatter [tilespmem:s10], [sflag:$0x7], $0x2800, $0x38;
	[tilespmem:$0x1B200] =	vst v63  }
0x8b: {  	_ =	swait.ge [sflag:s11], $0x2800  }
0x8c: {  	[sflag:s11] =	ssyncset.done $0x0  }
0x8d: {  	[sflag:s11] =	ssyncadd.s32 $0xFFFFD800  }
0x8e: {  	[bflag:$0x0] =	sbarrier.arrive $0xFFFF  }
0x8f: {  	s4 =	rddreg [dreg:$0x7]  }
0x90: {  	[tilespmem:s3], [sflag:$0x3] =	stream.linear.gather [hbm4b:s4+s3], $0x80, $0x38;
	[tilespmem:$0x1B200] =	vst v63  }
0x91: {  	s20 =	smov.u32 s17;
	s19 =	smov.u32 s14;
	s14 =	rddreg [dreg:$0x8]  }
0x92: {  	[tilespmem:s9], [sflag:$0x5] =	stream.linear.gather [hbm4b:s14+s3], $0x80, $0x38;
	[tilespmem:$0x1B200] =	vst v63  }
0x93: {  	s21 =	smov.u32 s31;
	s23 =	smov.u32 s22;
	s17 =	rddreg [dreg:$0x9]  }
0x94: {  	[tilespmem:s12], [sflag:$0x4] =	stream.linear.gather [hbm4b:s17+s3], $0x80, $0x38;
	[tilespmem:$0x1B200] =	vst v63  }
.Ltmp2:
0x95: {  	s31 =	simm.s32 $0x3;
	s22 =	rddreg [dreg:$0xa];
	(pc) =	sbr.rel @p0 .LBB2_5-.Ltmp2, $4  }
0x96: {  	[tilespmem:s13], [sflag:$0x6] =	stream.linear.gather [hbm4b:s22+s3], $0x80, $0x38;
	[tilespmem:$0x1B200] =	vst v63  }
0x97: {  	_ =	swait.ge [sflag:s31], $0x80  }
0x98: {  	[sflag:s31] =	ssyncset.done $0x0  }
0x99: {  	[sflag:s31] =	ssyncadd.s32 $0xFFFFFF80  }
0x9a: {  	[tilespmem:s10], [sflag:$0x1] =	stream.indirect.gather [hbm4b:s1+s15], $0x80, s3, s15, $0xb8;
	[tilespmem:$0x1B200] =	vst v63  }
0x9b: {  	s31 =	simm.s32 $0x180  }
.LBB2_3:
0x9c: {  	p1 =	seq.s32 s31, $0x2D80  }
0x9d: {  	s0 =	sadd.s32 @!p1 $0xFFFFFF80, s31  }
0x9e: {  	s4 =	sand.u32 @!p1 $0x7C00, s0  }
0x9f: {  	s0 =	sand.u32 @!p1 $0x300, s0;
	s4 =	sadd.s32 @!p1 s8, s4  }
0xa0: {  	_ =	swait.ge [sflag:s16], $0x3800;
	s0 =	sor.u32 @!p1 s0, s4  }
0xa1: {  	[sflag:s16] =	ssyncset.done $0x0;
	s0 =	sshrl.u32 @!p1 s0, $0x3  }
0xa2: {  	s14 =	simm.s32 @!p1 $0x0;
	[sflag:s16] =	ssyncadd.s32 $0xFFFFC800;
	s4 =	sadd.s32 @!p1 s6, s0  }
0xa3: {  	[tilespmem:s14], [sflag:$0x3] =	stream.linear.gather @!p1 [hbm4b:s4+s14], $0x80, $0x38;
	[tilespmem:$0x1B200] =	vst v63  }
0xa4: {  	_ =	swait.ge [sflag:s25], $0x80  }
0xa5: {  	[sflag:s25] =	ssyncset.done $0x0  }
0xa6: {  	[sflag:s25] =	ssyncadd.s32 $0xFFFFFF80  }
0xa7: {  	[tilespmem:s26], [sflag:$0x2] =	stream.indirect.gather [hbm4b:s1+s15], $0x80, s12, s15, $0xb8;
	[tilespmem:$0x1B200] =	vst v63  }
0xa8: {  	_ =	swait.ge [sflag:s28], $0x80  }
0xa9: {  	[sflag:s28] =	ssyncset.done $0x0  }
0xaa: {  	[sflag:s28] =	ssyncadd.s32 $0xFFFFFF80  }
0xab: {  	[spmem:s2] =	stream.indirect.scatter.add.f32 [tilespmem:s10], [sflag:$0x7], $0x80, s9, s15, $0xb8;
	[tilespmem:$0x1B200] =	vst v63  }
0xac: {  	_ =	swait.ge [sflag:s11], $0x3800  }
0xad: {  	[sflag:s11] =	ssyncset.done $0x0  }
0xae: {  	s4 =	simm.s32 @p1 $0x2;
	[sflag:s11] =	ssyncadd.s32 $0xFFFFC800  }
0xaf: {  	_ =	swait.ge @p1 [sflag:s4], $0x3800  }
0xb0: {  	[sflag:s4] =	ssyncset.done @p1 $0x0  }
0xb1: {  	s0 =	sadd.s32 @!p1 s7, s0;
	[sflag:s4] =	ssyncadd.s32 @p1 $0xFFFFC800;
	s4 =	simm.s32 @!p1 $0x100  }
0xb2: {  	[tilespmem:s4], [sflag:$0x5] =	stream.linear.gather @!p1 [hbm4b:s0+s14], $0x80, $0x38;
	[tilespmem:$0x1B200] =	vst v63  }
0xb3: {  	s0 =	simm.s32 @!p1 $0x2  }
0xb4: {  	_ =	swait.ge @!p1 [sflag:s0], $0x3800  }
0xb5: {  	[sflag:s0] =	ssyncset.done @!p1 $0x0  }
0xb6: {  	[sflag:s0] =	ssyncadd.s32 @!p1 $0xFFFFC800;
	s0 =	simm.s32 @!p1 $0x3  }
0xb7: {  	_ =	swait.ge @!p1 [sflag:s0], $0x80  }
0xb8: {  	[sflag:s0] =	ssyncset.done @!p1 $0x0  }
0xb9: {  	s4 =	simm.s32 @!p1 $0x200;
	[sflag:s0] =	ssyncadd.s32 @!p1 $0xFFFFFF80;
	s0 =	simm.s32 @!p1 $0x70  }
0xba: {  	[tilespmem:s4], [sflag:$0x1] =	stream.indirect.gather @!p1 [hbm4b:s1+s0], $0x80, s14, s0, $0xb8;
	[tilespmem:$0x1B200] =	vst v63  }
0xbb: {  	s0 =	sand.u32 @!p1 $0x7C00, s31  }
0xbc: {  	s4 =	sand.u32 @!p1 $0x380, s31;
	s0 =	sadd.s32 @!p1 s8, s0  }
0xbd: {  	s0 =	sor.u32 @!p1 s4, s0  }
0xbe: {  	s0 =	sshrl.u32 @!p1 s0, $0x3  }
0xbf: {  	s17 =	simm.s32 @!p1 $0x80;
	s4 =	sadd.s32 @!p1 s6, s0  }
0xc0: {  	[tilespmem:s17], [sflag:$0x4] =	stream.linear.gather @!p1 [hbm4b:s4+s14], $0x80, $0x38;
	[tilespmem:$0x1B200] =	vst v63  }
0xc1: {  	s31 =	sadd.s32 @!p1 $0x100, s31;
	_ =	swait.ge [sflag:s29], $0x80  }
0xc2: {  	p2 =	seq.s32 @!p1 s31, $0x2E80;
	[sflag:s29] =	ssyncset.done $0x0  }
0xc3: {  	p2 =	por p1, p2;
	[sflag:s29] =	ssyncadd.s32 $0xFFFFFF80  }
0xc4: {  	[spmem:s2] =	stream.indirect.scatter.add.f32 [tilespmem:s26], [sflag:$0x7], $0x80, s13, s15, $0xb8;
	[tilespmem:$0x1B200] =	vst v63  }
.Ltmp3:
0xc5: {  	_ = 	snop;
	(pc) =	sbr.rel @!p2 .LBB2_3-.Ltmp3, $4  }
0xc6: {  	_ =	swait.ge [sflag:s11], $0x3800  }
0xc7: {  	[sflag:s11] =	ssyncset.done $0x0  }
0xc8: {  	s0 =	sadd.s32 @!p1 s7, s0;
	s4 =	simm.s32 @!p1 $0x180;
	[sflag:s11] =	ssyncadd.s32 $0xFFFFC800  }
0xc9: {  	[tilespmem:s4], [sflag:$0x6] =	stream.linear.gather @!p1 [hbm4b:s0+s14], $0x80, $0x38;
	[tilespmem:$0x1B200] =	vst v63  }
.Ltmp4:
0xca: {  	(pc) =	sbr.rel .LBB2_8-.Ltmp4, $3  }
0xcb: {  	_ =	sdelay $0x1  }
0xcc: {  	s31 =	rddreg [dreg:$0x5]  }
0xcd: {  	s31 =	smov.u32 @p1 s31  }
.LBB2_5:
0xce: {  	[tilespmem:s10], [sflag:$0x1] =	stream.indirect.gather [hbm4b:s5+s15], $0x80, s3, s15, $0xb8;
	[tilespmem:$0x1B200] =	vst v63  }
0xcf: {  	s31 =	simm.s32 $0x180  }
.LBB2_6:
0xd0: {  	p1 =	seq.s32 s31, $0x2D80  }
0xd1: {  	s0 =	sadd.s32 @!p1 $0xFFFFFF80, s31  }
0xd2: {  	s4 =	sand.u32 @!p1 $0x7C00, s0  }
0xd3: {  	s0 =	sand.u32 @!p1 $0x300, s0;
	s4 =	sadd.s32 @!p1 s8, s4  }
0xd4: {  	_ =	swait.ge [sflag:s16], $0x3800;
	s0 =	sor.u32 @!p1 s0, s4  }
0xd5: {  	[sflag:s16] =	ssyncset.done $0x0;
	s0 =	sshrl.u32 @!p1 s0, $0x3  }
0xd6: {  	s14 =	simm.s32 @!p1 $0x0;
	[sflag:s16] =	ssyncadd.s32 $0xFFFFC800;
	s4 =	sadd.s32 @!p1 s6, s0  }
0xd7: {  	[tilespmem:s14], [sflag:$0x3] =	stream.linear.gather @!p1 [hbm4b:s4+s14], $0x80, $0x38;
	[tilespmem:$0x1B200] =	vst v63  }
0xd8: {  	_ =	swait.ge [sflag:s25], $0x80  }
0xd9: {  	[sflag:s25] =	ssyncset.done $0x0  }
0xda: {  	[sflag:s25] =	ssyncadd.s32 $0xFFFFFF80  }
0xdb: {  	[tilespmem:s26], [sflag:$0x2] =	stream.indirect.gather [hbm4b:s5+s15], $0x80, s12, s15, $0xb8;
	[tilespmem:$0x1B200] =	vst v63  }
0xdc: {  	_ =	swait.ge [sflag:s28], $0x80  }
0xdd: {  	[sflag:s28] =	ssyncset.done $0x0  }
0xde: {  	[sflag:s28] =	ssyncadd.s32 $0xFFFFFF80  }
0xdf: {  	[spmem:s2] =	stream.indirect.scatter.add.f32 [tilespmem:s10], [sflag:$0x7], $0x80, s9, s15, $0xb8;
	[tilespmem:$0x1B200] =	vst v63  }
0xe0: {  	_ =	swait.ge [sflag:s11], $0x3800  }
0xe1: {  	[sflag:s11] =	ssyncset.done $0x0  }
0xe2: {  	s4 =	simm.s32 @p1 $0x2;
	[sflag:s11] =	ssyncadd.s32 $0xFFFFC800  }
0xe3: {  	_ =	swait.ge @p1 [sflag:s4], $0x3800  }
0xe4: {  	[sflag:s4] =	ssyncset.done @p1 $0x0  }
0xe5: {  	s0 =	sadd.s32 @!p1 s7, s0;
	[sflag:s4] =	ssyncadd.s32 @p1 $0xFFFFC800;
	s4 =	simm.s32 @!p1 $0x100  }
0xe6: {  	[tilespmem:s4], [sflag:$0x5] =	stream.linear.gather @!p1 [hbm4b:s0+s14], $0x80, $0x38;
	[tilespmem:$0x1B200] =	vst v63  }
0xe7: {  	s0 =	simm.s32 @!p1 $0x2  }
0xe8: {  	_ =	swait.ge @!p1 [sflag:s0], $0x3800  }
0xe9: {  	[sflag:s0] =	ssyncset.done @!p1 $0x0  }
0xea: {  	[sflag:s0] =	ssyncadd.s32 @!p1 $0xFFFFC800;
	s0 =	simm.s32 @!p1 $0x3  }
0xeb: {  	_ =	swait.ge @!p1 [sflag:s0], $0x80  }
0xec: {  	[sflag:s0] =	ssyncset.done @!p1 $0x0  }
0xed: {  	s4 =	simm.s32 @!p1 $0x200;
	[sflag:s0] =	ssyncadd.s32 @!p1 $0xFFFFFF80;
	s0 =	simm.s32 @!p1 $0x70  }
0xee: {  	[tilespmem:s4], [sflag:$0x1] =	stream.indirect.gather @!p1 [hbm4b:s5+s0], $0x80, s14, s0, $0xb8;
	[tilespmem:$0x1B200] =	vst v63  }
0xef: {  	s0 =	sand.u32 @!p1 $0x7C00, s31  }
0xf0: {  	s4 =	sand.u32 @!p1 $0x380, s31;
	s0 =	sadd.s32 @!p1 s8, s0  }
0xf1: {  	s0 =	sor.u32 @!p1 s4, s0  }
0xf2: {  	s0 =	sshrl.u32 @!p1 s0, $0x3  }
0xf3: {  	s17 =	simm.s32 @!p1 $0x80;
	s4 =	sadd.s32 @!p1 s6, s0  }
0xf4: {  	[tilespmem:s17], [sflag:$0x4] =	stream.linear.gather @!p1 [hbm4b:s4+s14], $0x80, $0x38;
	[tilespmem:$0x1B200] =	vst v63  }
0xf5: {  	s31 =	sadd.s32 @!p1 $0x100, s31;
	_ =	swait.ge [sflag:s29], $0x80  }
0xf6: {  	p2 =	sne.s32 @!p1 s31, $0x2E80;
	[sflag:s29] =	ssyncset.done $0x0  }
0xf7: {  	p2 =	por p1, !p2;
	[sflag:s29] =	ssyncadd.s32 $0xFFFFFF80  }
0xf8: {  	[spmem:s2] =	stream.indirect.scatter.add.f32 [tilespmem:s26], [sflag:$0x7], $0x80, s13, s15, $0xb8;
	[tilespmem:$0x1B200] =	vst v63  }
.Ltmp5:
0xf9: {  	_ = 	snop;
	(pc) =	sbr.rel @!p2 .LBB2_6-.Ltmp5, $4  }
0xfa: {  	_ =	swait.ge [sflag:s11], $0x3800  }
0xfb: {  	[sflag:s11] =	ssyncset.done $0x0  }
0xfc: {  	s0 =	sadd.s32 @!p1 s7, s0;
	s4 =	simm.s32 @!p1 $0x180;
	[sflag:s11] =	ssyncadd.s32 $0xFFFFC800  }
0xfd: {  	[tilespmem:s4], [sflag:$0x6] =	stream.linear.gather @!p1 [hbm4b:s0+s14], $0x80, $0x38;
	[tilespmem:$0x1B200] =	vst v63  }
.Ltmp6:
0xfe: {  	_ = 	snop;
	(pc) =	sbr.rel .LBB2_7-.Ltmp6, $1  }
0xff: {  	_ =	sdelay $0x3  }
.LBB2_9:
0x100: {  	_ =	sfence.sel $0x180000  }
0x101: {  	[bflag:$0x0] =	sbarrier.arrive $0xFFFF  }
0x102: {  	_ =	strace $0x9000004A  }
0x103: {  	s0 =	stileid.u32;
	[bflag:$0x2] =	sbarrier.arrive $0xFFFF  }
0x104: {  	p0 =	sne.s32 s0, $0x0;
	s0 =	rddreg [dreg:$0x3]  }
0x105: {  	s0 =	sadd.s32 @!p0 $0x100000, s0  }
0x106: {  	[sflag:s0] =	ssyncadd.tile.s32 @!p0 $0x1;
	_ =	shalt  }
.Lfunc_end2:
_tile_overlayer_lowered:
.L_overlay_start_2:
0x107: {  	(tag) =	ssettag $0x2  }
0x108: {  	s0 =	rddreg [dreg:$0x0];
	s2 =	stileid.u32  }
0x109: {  	s1 =	rddreg [dreg:$0x1];
	p0 =	sne.s32 s2, $0x0  }
0x10a: {  	s3 =	rddreg [dreg:$0x2];
	[bflag:$0x3] =	sbarrier.arrive $0xFFFF;
	s2 =	simm.s32 @!p0 $0x1C07  }
0x10b: {  	[timem:s3], [sflag:s2] =	dma.local @!p0 [hbm:s0], s1  }
0x10c: {  	s0 =	simm.s32 @!p0 $0x7  }
0x10d: {  	_ =	swait.ge @!p0 [sflag:s0], s1  }
0x10e: {  	s1 =	ssub.s32 @!p0 $0x0, s1;
	[sflag:s0] =	ssyncset.done @!p0 $0x0  }
0x10f: {  	[sflag:s0] =	ssyncadd.s32 @!p0 s1  }
0x110: {  	[bflag:$0x3] =	sbarrier.arrive $0xFFFF  }
0x111: {  	_ =	shalt  }

// kernel: kernel.3.cloned.1.call-start
scs
__scs_entry_jumppad:
0x0: {  	(pc) =	sbr.rel $0x88, $3  }
0x1: {  	(tag) =	ssettag $0x0;
	lr =	simm.s32 $0x1  }
0x2: {  	[smem:$0x3F9B] =	sst lr;
	_ =	strace $0xD0000000  }
0x3: {  	_ = 	snop  }
0x4: {  	_ = 	snop  }
0x5: {  	_ = 	snop  }
0x6: {  	_ = 	snop  }
0x7: {  	_ = 	snop  }
__scs_overlays_trampoline_lowered:
0x8: {  	[smem:$0x3FAA] =	sst s0  }
0x9: {  	[smem:$0x3FAB] =	sst s1  }
0xa: {  	[smem:$0x3FAC] =	sst s2  }
0xb: {  	[smem:$0x3FAD] =	sst s3  }
0xc: {  	[smem:$0x3FAE] =	sst s4  }
0xd: {  	[smem:$0x3FAF] =	sst s5  }
0xe: {  	[smem:$0x3FB0] =	sst s6  }
0xf: {  	[smem:$0x3FB1] =	sst s7  }
0x10: {  	[smem:$0x3FB2] =	sst s8  }
0x11: {  	[smem:$0x3FB3] =	sst s9;
	s0 =	simm.s32 @!p0 $0x0  }
0x12: {  	s1 =	sld [smem:$0x3F99];
	s0 =	simm.s32 @p0 $0x1  }
0x13: {  	[smem:$0x3FB4] =	sst s0;
	s0 =	simm.s32 @!p1 $0x0  }
0x14: {  	s2 =	sld [smem:$0x3F98];
	s0 =	simm.s32 @p1 $0x1  }
0x15: {  	[smem:$0x3FB5] =	sst s0;
	s0 =	simm.s32 @!p2 $0x0  }
0x16: {  	s3 =	sld [smem:$0x3FDB];
	s0 =	simm.s32 @p2 $0x1  }
0x17: {  	s4 =	simm.s32 $0x1BF5;
	[smem:$0x3FB7] =	sst s0  }
0x18: {  	s0 =	sld [smem:$0x3F9A];
	_ =	swait.ge [sflag:s4], $0x0  }
0x19: {  	s7 =	sld [smem:$0x3F9B]  }
0x1a: {  	s8 =	sadd.s32 $0xFFFFE003, lr  }
0x1b: {  	s9 =	sadd.s32 $0xFFFFFEF7, lr;
	s5 =	simm.s32 $0xFFFFFFFF;
	p2 =	slt.u32 s8, $0xFFFFF086  }
0x1c: {  	p1 =	slt.u32 s9, $0xF7A;
	s5 =	simm.s32 @!p2 $0x0  }
0x1d: {  	s5 =	simm.s32 @p1 $0x1;
	p0 =	seq.s32 s7, s2  }
0x1e: {  	s7 =	smul.u32 @!p0 $0xF7A, s2;
	p2 =	seq.s32 @!p0 s5, $0x0  }
0x1f: {  	s9 =	smul.u32 $0xF7A, s1;
	s8 =	simm.s32 @!p0 $0x1BF5;
	p2 =	por !p2, p0  }
0x20: {  	[sflag:s8] =	ssyncset.s32 @!p0 $0xFFFFF086;
	s6 =	sadd.s32 @!p0 s3, s7;
	s7 =	simm.s32 @!p0 $0x108  }
0x21: {  	s3 =	sadd.s32 s3, s9;
	s6 =	sadd.s32 @!p0 $0x88, s6;
	s7 =	simm.s32 @p2 $0x1082  }
0x22: {  	[simem:s7], [sflag:s8] =	dma.local @!p0 [hbm:s6], $0xF7A  }
0x23: {  	s9 =	sor.u32 $0xD0000000, s2;
	s6 =	simm.s32 $0x108;
	_ =	swait.ge @!p0 [sflag:s8], $0x0  }
0x24: {  	s3 =	sadd.s32 $0x88, s3;
	s6 =	simm.s32 @!p1 $0x1082;
	[sflag:s4] =	ssyncset.s32 $0xFFFFF086  }
0x25: {  	[simem:s6], [sflag:s4] =	dma.local [hbm:s3], $0xF7A  }
0x26: {  	[smem:$0x3F9B] =	sst s1;
	(tag) =	ssettag s2;
	_ =	strace s9  }
0x27: {  	s1 =	sld [smem:$0x3FAB]  }
0x28: {  	s2 =	sld [smem:$0x3FAC]  }
0x29: {  	s4 =	sld [smem:$0x3FAE]  }
0x2a: {  	p0 =	seq.s32 s5, $0x0;
	s5 =	sld [smem:$0x3FAF]  }
0x2b: {  	s6 =	sld [smem:$0x3FB0]  }
0x2c: {  	s7 =	sld [smem:$0x3FB1]  }
0x2d: {  	s3 =	simm.s32 $0x108;
	s8 =	sld [smem:$0x3FB2]  }
0x2e: {  	s3 =	simm.s32 @!p0 $0x1082;
	s9 =	sld [smem:$0x3FB3]  }
0x2f: {  	lr =	sadd.s32 s0, s3;
	s0 =	sld [smem:$0x3FAA]  }
0x30: {  	s3 =	sld [smem:$0x3FAD]  }
0x31: {  	[smem:$0x3FB6] =	sst s10  }
0x32: {  	s10 =	sld [smem:$0x3FB4];
	_ =	sdelay $0x3  }
0x33: {  	p0 =	seq.s32 s10, $0x1;
	s10 =	sld [smem:$0x3FB6];
	_ =	sdelay $0x3  }
0x34: {  	[smem:$0x3FB6] =	sst s10  }
0x35: {  	s10 =	sld [smem:$0x3FB5];
	_ =	sdelay $0x3  }
0x36: {  	p1 =	seq.s32 s10, $0x1;
	s10 =	sld [smem:$0x3FB6];
	_ =	sdelay $0x3  }
0x37: {  	[smem:$0x3FB6] =	sst s10  }
0x38: {  	s10 =	sld [smem:$0x3FB7]  }
0x39: {  	_ = 	snop;
	(pc) =	sbr.ind lr, $3  }
0x3a: {  	_ = 	snop  }
0x3b: {  	_ = 	snop  }
0x3c: {  	p2 =	seq.s32 s10, $0x1;
	s10 =	sld [smem:$0x3FB6]  }
0x3d: {  	_ =	shalt  }
0x3e: {  	_ =	shalt  }
0x3f: {  	_ =	shalt  }
0x40: {  	_ =	shalt  }
0x41: {  	_ =	shalt  }
0x42: {  	_ =	shalt  }
0x43: {  	_ =	shalt  }
0x44: {  	_ =	shalt  }
0x45: {  	_ =	shalt  }
0x46: {  	_ =	shalt  }
0x47: {  	_ =	shalt  }
0x48: {  	_ =	shalt  }
0x49: {  	_ =	shalt  }
0x4a: {  	_ =	shalt  }
0x4b: {  	_ =	shalt  }
0x4c: {  	_ =	shalt  }
0x4d: {  	_ =	shalt  }
0x4e: {  	_ =	shalt  }
0x4f: {  	_ =	shalt  }
0x50: {  	_ =	shalt  }
0x51: {  	_ =	shalt  }
0x52: {  	_ =	shalt  }
0x53: {  	_ =	shalt  }
0x54: {  	_ =	shalt  }
0x55: {  	_ =	shalt  }
0x56: {  	_ =	shalt  }
0x57: {  	_ =	shalt  }
0x58: {  	_ =	shalt  }
0x59: {  	_ =	shalt  }
0x5a: {  	_ =	shalt  }
0x5b: {  	_ =	shalt  }
0x5c: {  	_ =	shalt  }
0x5d: {  	_ =	shalt  }
0x5e: {  	_ =	shalt  }
0x5f: {  	_ =	shalt  }
0x60: {  	_ =	shalt  }
0x61: {  	_ =	shalt  }
0x62: {  	_ =	shalt  }
0x63: {  	_ =	shalt  }
0x64: {  	_ =	shalt  }
0x65: {  	_ =	shalt  }
0x66: {  	_ =	shalt  }
0x67: {  	_ =	shalt  }
0x68: {  	_ =	shalt  }
0x69: {  	_ =	shalt  }
0x6a: {  	_ =	shalt  }
0x6b: {  	_ =	shalt  }
0x6c: {  	_ =	shalt  }
0x6d: {  	_ =	shalt  }
0x6e: {  	_ =	shalt  }
0x6f: {  	_ =	shalt  }
0x70: {  	_ =	shalt  }
0x71: {  	_ =	shalt  }
0x72: {  	_ =	shalt  }
0x73: {  	_ =	shalt  }
0x74: {  	_ =	shalt  }
0x75: {  	_ =	shalt  }
0x76: {  	_ =	shalt  }
0x77: {  	_ =	shalt  }
0x78: {  	_ =	shalt  }
0x79: {  	_ =	shalt  }
0x7a: {  	_ =	shalt  }
0x7b: {  	_ =	shalt  }
0x7c: {  	_ =	shalt  }
0x7d: {  	_ =	shalt  }
0x7e: {  	_ =	shalt  }
0x7f: {  	_ =	shalt  }
0x80: {  	_ =	shalt  }
0x81: {  	_ =	shalt  }
0x82: {  	_ =	shalt  }
0x83: {  	_ =	shalt  }
0x84: {  	_ =	shalt  }
0x85: {  	_ =	shalt  }
0x86: {  	_ =	shalt  }
0x87: {  	_ =	shalt  }
.Lfunc_end0:
.L_simem_size_0:
called_computation.1_lowered:
.L_overlay_start_0:
0x88: {  	s2 =	sld [smem:$0x3FD9]  }
0x89: {  	s3 =	sld [smem:$0x3FFE];
	_ =	sdelay $0x1  }
0x8a: {  	s1 =	srdreg.scid  }
0x8b: {  	s0 =	sand.u32 $0x1, s1  }
0x8c: {  	s17 =	sshll.u32 s0, $0xA;
	s2 =	sadd.s32 s3, s2  }
0x8d: {  	s2 =	sadd.s32 s2, s17  }
0x8e: {  	[smem:$0x3FC2] =	sst s2  }
0x8f: {  	_ = 	snop  }
0x90: {  	s2 =	sld [smem:$0x3FD0];
	(tm) =	ssettm $0x1  }
0x91: {  	s18 =	sld [smem:$0x3FFB];
	_ =	sdelay $0x3  }
0x92: {  	_ =	strace s18  }
0x93: {  	s3 =	sld [smem:$0x3FFC];
	_ =	sdelay $0x3  }
0x94: {  	_ =	strace s3  }
0x95: {  	s3 =	sld [smem:$0x3FFD];
	_ =	sdelay $0x3  }
0x96: {  	_ =	strace s3  }
0x97: {  	_ =	strace $0x8FFFFFFF  }
0x98: {  	s19 =	sld [smem:$0x3FDB];
	_ =	sdelay $0x1  }
0x99: {  	s4 =	simm.s32 $_scs_section_size  }
0x9a: {  	s5 =	simm.s32 $_size__tile_overlayer_lowered;
	s6 =	simm.s32 $_tile_overlayer_lowered  }
0x9b: {  	s22 =	simm.s32 $0x1BFF;
	s21 =	sshll.u32 s6, $0x1;
	s3 =	sadd.s32 s4, s19  }
0x9c: {  	s7 =	simm.s32 $0x0;
	s20 =	sshll.u32 s5, $0x1;
	s5 =	sadd.s32 s21, s3  }
0x9d: {  	[timem:s7], [sflag:s22] =	dma.local [hbm:s5], s20  }
0x9e: {  	_ =	swait.ge [sflag:s22], s20  }
0x9f: {  	s4 =	ssub.s32 $0x0, s20;
	[sflag:s22] =	ssyncset.done $0x0  }
0xa0: {  	[sflag:s22] =	ssyncadd.s32 s4;
	_ =	sdelay $0x1  }
0xa1: {  	s23 =	simm.s32 $0x1B8B  }
0xa2: {  	_ =	swait.ge [sflag:s23], $0x1  }
0xa3: {  	[sflag:s23] =	ssyncset.done $0x0  }
0xa4: {  	s25 =	simm.s32 $0x1B8E;
	s24 =	sld [smem:$0x3FFE];
	[sflag:s23] =	ssyncadd.s32 $0xFFFFFFFF  }
0xa5: {  	s26 =	simm.s32 $execute0_lowered;
	[smem:$0x3FD2] =	sst s25  }
0xa6: {  	s5 =	sshll.u32 s26, $0x1;
	_ =	strace $0x80000046;
	[dreg:$0x1] =	wrdreg $0xFFFFFFFF  }
0xa7: {  	s28 =	simm.s32 $_size_execute0_lowered;
	s3 =	sadd.s32 s3, s5;
	[dreg:$0x0] =	wrdreg $0x0  }
0xa8: {  	s5 =	sshll.u32 s28, $0x1;
	[dreg:$0x2] =	wrdreg s3  }
0xa9: {  	[dreg:$0x3] =	wrdreg s5  }
0xaa: {  	[dreg:$0x4] =	wrdreg $0xC0  }
0xab: {  	_ =	task [dreg:s7], $0x5FFFF  }
0xac: {  	[dreg:$0x1] =	wrdreg $0xFFFFFFFF  }
0xad: {  	[dreg:$0x0] =	wrdreg $0x60  }
0xae: {  	[dreg:$0x2] =	wrdreg s2  }
0xaf: {  	[dreg:$0x3] =	wrdreg s24  }
0xb0: {  	[dreg:$0x4] =	wrdreg $0x68000  }
0xb1: {  	[dreg:$0x5] =	wrdreg $0x9  }
0xb2: {  	_ =	task.clear_ibuf [dreg:s7], $0x6FFFF;
	_ =	strace $0x90000046  }
0xb3: {  	s29 =	simm.s32 $0x9;
	_ =	strace $0x80000048  }
0xb4: {  	_ =	swait.ge [sflag:s29], $0x1  }
0xb5: {  	[sflag:s29] =	ssyncadd.s32 $0xFFFFFFFF  }
0xb6: {  	_ =	strace $0x90000048  }
0xb7: {  	_ =	sfence  }
0xb8: {  	s30 =	sld [smem:$0x0];
	_ =	sdelay $0x2  }
0xb9: {  	s31 =	sshll.u32 s1, $0xD;
	s1 =	sshrl.u32 s1, $0x2  }
0xba: {  	s3 =	sand.u32 $0x4000, s31;
	s1 =	sadd.s32 s1, s30  }
0xbb: {  	s0 =	sor.u32 s3, s0;
	s1 =	sshll.u32 s1, $0x11  }
0xbc: {  	s0 =	sor.u32 s1, s0  }
0xbd: {  	s0 =	sadd.s32 $0x8F2B, s0  }
0xbe: {  	[sflag:s0] =	ssyncadd.remote.s32 $0x1  }
0xbf: {  	_ =	sfence.sel $0xFFFF  }
0xc0: {  	[dreg:$0x0] =	wrdreg $0xFFFFFFFF;
	(pc) =	sbr.abs _section_cstart, $3  }
0xc1: {  	[dreg:$0x1] =	wrdreg $0xFFFFFFFF  }
0xc2: {  	_ =	task.clear_ibuf [dreg:s7], $0x2FFFF;
	_ =	strace $0x9FFFFFFF  }
0xc3: {  	(tm) =	ssettm $0x7FFFFFFF  }
tec
execute0_lowered:
.L_overlay_start_1:
0x0: {  	(tag) =	ssettag $0x1  }
0x1: {  	s1 =	rddreg [dreg:$0x0]  }
0x2: {  	s3 =	rddreg [dreg:$0x1]  }
0x3: {  	s0 =	rddreg [dreg:$0x2];
	s2 =	simm.s32 $0x0;
	s4 =	srdreg.scid  }
0x4: {  	s15 =	stileid.u32;
	[smem:$0x7FF] =	sst s2;
	s4 =	sand.u32 $0x1, s4  }
0x5: {  	s7 =	smul.u32 $0x14000, s15;
	s8 =	sadd.s32 $0x3200, s3;
	s5 =	sshll.u32 s4, $0x4  }
0x6: {  	s6 =	smul.u32 $0x140000, s4;
	s4 =	ssub.s32 $0x2, s4;
	s5 =	sor.u32 s15, s5  }
0x7: {  	s9 =	sshrl.u32 s4, $0x1;
	s10 =	sor.u32 $0x2000, s7;
	s15 =	smul.u32 $0x50000, s15  }
0x8: {  	s25 =	sadd.s32 $0xE000, s7;
	s5 =	smul.u32 $0x500, s5;
	s4 =	ssub.s32 s4, s9  }
0x9: {  	s26 =	sadd.s32 s6, s7;
	s11 =	sadd.s32 s6, s10;
	s20 =	sadd.s32 s6, s25  }
0xa: {  	s25 =	sadd.s32 s25, s0;
	s9 =	sshrl.u32 s26, $0x3;
	s12 =	sshrl.u32 s11, $0x3  }
0xb: {  	s21 =	sshrl.u32 s20, $0x3;
	s26 =	sadd.s32 $0x10000, s7;
	s24 =	sshrl.u32 s15, $0x2  }
0xc: {  	s15 =	sadd.s32 $0x2A00, s3;
	s1 =	sadd.s32 s1, s5;
	s5 =	sadd.s32 $0x4000, s7  }
0xd: {  	s22 =	sadd.s32 s6, s26;
	s26 =	sadd.s32 s26, s0;
	[dreg:$0x4] =	wrdreg s1  }
0xe: {  	s1 =	sadd.s32 s8, s9;
	s13 =	sadd.s32 s6, s5;
	s9 =	sadd.s32 $0x6000, s7  }
0xf: {  	s20 =	sadd.s32 s5, s0;
	[dreg:$0x5] =	wrdreg s1;
	s1 =	sadd.s32 s8, s12  }
0x10: {  	s11 =	sadd.s32 s6, s9;
	s12 =	sadd.s32 $0x8000, s7;
	[dreg:$0x6] =	wrdreg s1  }
0x11: {  	s1 =	sshrl.u32 s13, $0x3;
	s14 =	sshrl.u32 s11, $0x3;
	s16 =	sadd.s32 s6, s12  }
0x12: {  	s11 =	sadd.s32 $0xA000, s7;
	s13 =	sadd.s32 $0xC000, s7;
	s7 =	sadd.s32 $0x12000, s7  }
0x13: {  	s1 =	sadd.s32 s8, s1;
	s17 =	sshrl.u32 s16, $0x3;
	s18 =	sadd.s32 s6, s11  }
0x14: {  	s16 =	sadd.s32 $0x2E00, s3;
	s28 =	sadd.s32 s7, s0;
	[dreg:$0x7] =	wrdreg s1  }
0x15: {  	s1 =	sadd.s32 s8, s14;
	s14 =	sadd.s32 s6, s13;
	s6 =	sadd.s32 s6, s7  }
0x16: {  	s7 =	simm.s32 $0x2800;
	[dreg:$0x8] =	wrdreg s1;
	s1 =	sadd.s32 s8, s17  }
0x17: {  	s19 =	sshrl.u32 s14, $0x3;
	s23 =	sshrl.u32 s6, $0x3;
	s17 =	sadd.s32 s24, s0  }
0x18: {  	s24 =	sadd.s32 s13, s0;
	[dreg:$0x9] =	wrdreg s1;
	s1 =	sshrl.u32 s18, $0x3  }
0x19: {  	s18 =	smax.u32 s4, $0x1;
	s29 =	sadd.s32 $0x2000, s17;
	s30 =	sadd.s32 $0x4000, s17  }
0x1a: {  	s31 =	sadd.s32 $0x6000, s17;
	s3 =	sadd.s32 $0xC000, s17;
	s4 =	sadd.s32 $0xE000, s17  }
0x1b: {  	s5 =	sadd.s32 $0x10000, s17;
	s6 =	sadd.s32 $0x12000, s17;
	s1 =	sadd.s32 s8, s1  }
0x1c: {  	[dreg:$0xa] =	wrdreg s1;
	s1 =	sadd.s32 s8, s19;
	s19 =	sadd.s32 s10, s0  }
0x1d: {  	s10 =	simm.s32 $0x40;
	[dreg:$0xb] =	wrdreg s1;
	s1 =	sadd.s32 s8, s21  }
0x1e: {  	s21 =	sadd.s32 s9, s0;
	[dreg:$0xc] =	wrdreg s1;
	s1 =	sshrl.u32 s22, $0x3  }
0x1f: {  	s9 =	simm.s32 $0x4800;
	s22 =	sadd.s32 s12, s0;
	s1 =	sadd.s32 s8, s1  }
0x20: {  	s12 =	sadd.s32 $0x8000, s17;
	[dreg:$0xd] =	wrdreg s1;
	s1 =	sadd.s32 s8, s23  }
0x21: {  	s23 =	sadd.s32 s11, s0;
	s8 =	simm.s32 $0x1;
	[dreg:$0xe] =	wrdreg s1  }
0x22: {  	s11 =	simm.s32 $0x0;
	s1 =	sadd.s32 $0xA000, s17;
	_ =	strace $0x80000047  }
.LBB2_1:
0x23: {  	[tilespmem:s7], [sflag:$0x1] =	stream.linear.gather [hbm4b:s15+s2], $0x2000, $0x38;
	[tilespmem:$0x1A800] =	vst v63  }
0x24: {  	_ =	swait.ge [sflag:s8], $0x2000  }
0x25: {  	[sflag:s8] =	ssyncset.done $0x0  }
0x26: {  	[sflag:s8] =	ssyncadd.s32 $0xFFFFE000  }
0x27: {  	[tilespmem:s9], [sflag:$0x1] =	stream.linear.gather [hbm4b:s16+s2], $0x2000, $0x38;
	[tilespmem:$0x1A800] =	vst v63  }
0x28: {  	_ =	swait.ge [sflag:s8], $0x2000  }
0x29: {  	[sflag:s8] =	ssyncset.done $0x0  }
0x2a: {  	[sflag:s8] =	ssyncadd.s32 $0xFFFFE000  }
0x2b: {  	[spmem:s17] =	stream.linear.scatter [tilespmem:s9], [sflag:$0x1], $0x2000, $0x38;
	[tilespmem:$0x1A800] =	vst v63  }
0x2c: {  	_ =	swait.ge [sflag:s8], $0x2000  }
0x2d: {  	[sflag:s8] =	ssyncset.done $0x0  }
0x2e: {  	[sflag:s8] =	ssyncadd.s32 $0xFFFFE000  }
0x2f: {  	[spmem:s29] =	stream.linear.scatter [tilespmem:s9], [sflag:$0x1], $0x2000, $0x38;
	[tilespmem:$0x1A800] =	vst v63  }
0x30: {  	_ =	swait.ge [sflag:s8], $0x2000  }
0x31: {  	[sflag:s8] =	ssyncset.done $0x0  }
0x32: {  	[sflag:s8] =	ssyncadd.s32 $0xFFFFE000  }
0x33: {  	[spmem:s30] =	stream.linear.scatter [tilespmem:s9], [sflag:$0x1], $0x2000, $0x38;
	[tilespmem:$0x1A800] =	vst v63  }
0x34: {  	_ =	swait.ge [sflag:s8], $0x2000  }
0x35: {  	[sflag:s8] =	ssyncset.done $0x0  }
0x36: {  	[sflag:s8] =	ssyncadd.s32 $0xFFFFE000  }
0x37: {  	[spmem:s31] =	stream.linear.scatter [tilespmem:s9], [sflag:$0x1], $0x2000, $0x38;
	[tilespmem:$0x1A800] =	vst v63  }
0x38: {  	_ =	swait.ge [sflag:s8], $0x2000  }
0x39: {  	[sflag:s8] =	ssyncset.done $0x0  }
0x3a: {  	[sflag:s8] =	ssyncadd.s32 $0xFFFFE000  }
0x3b: {  	[spmem:s12] =	stream.linear.scatter [tilespmem:s9], [sflag:$0x1], $0x2000, $0x38;
	[tilespmem:$0x1A800] =	vst v63  }
0x3c: {  	_ =	swait.ge [sflag:s8], $0x2000  }
0x3d: {  	[sflag:s8] =	ssyncset.done $0x0  }
0x3e: {  	[sflag:s8] =	ssyncadd.s32 $0xFFFFE000  }
0x3f: {  	[spmem:s1] =	stream.linear.scatter [tilespmem:s9], [sflag:$0x1], $0x2000, $0x38;
	[tilespmem:$0x1A800] =	vst v63  }
0x40: {  	_ =	swait.ge [sflag:s8], $0x2000  }
0x41: {  	[sflag:s8] =	ssyncset.done $0x0  }
0x42: {  	[sflag:s8] =	ssyncadd.s32 $0xFFFFE000  }
0x43: {  	[spmem:s3] =	stream.linear.scatter [tilespmem:s9], [sflag:$0x1], $0x2000, $0x38;
	[tilespmem:$0x1A800] =	vst v63  }
0x44: {  	_ =	swait.ge [sflag:s8], $0x2000  }
0x45: {  	[sflag:s8] =	ssyncset.done $0x0  }
0x46: {  	[sflag:s8] =	ssyncadd.s32 $0xFFFFE000  }
0x47: {  	[spmem:s4] =	stream.linear.scatter [tilespmem:s9], [sflag:$0x1], $0x2000, $0x38;
	[tilespmem:$0x1A800] =	vst v63  }
0x48: {  	_ =	swait.ge [sflag:s8], $0x2000  }
0x49: {  	[sflag:s8] =	ssyncset.done $0x0  }
0x4a: {  	[sflag:s8] =	ssyncadd.s32 $0xFFFFE000  }
0x4b: {  	[spmem:s5] =	stream.linear.scatter [tilespmem:s9], [sflag:$0x1], $0x2000, $0x38;
	[tilespmem:$0x1A800] =	vst v63  }
0x4c: {  	_ =	swait.ge [sflag:s8], $0x2000  }
0x4d: {  	[sflag:s8] =	ssyncset.done $0x0  }
0x4e: {  	[sflag:s8] =	ssyncadd.s32 $0xFFFFE000  }
0x4f: {  	[spmem:s6] =	stream.linear.scatter [tilespmem:s9], [sflag:$0x1], $0x2000, $0x38;
	[tilespmem:$0x1A800] =	vst v63  }
0x50: {  	_ =	swait.ge [sflag:s8], $0x2000  }
0x51: {  	[sflag:s8] =	ssyncset.done $0x0  }
0x52: {  	s13 =	rddreg [dreg:$0x4];
	[sflag:s8] =	ssyncadd.s32 $0xFFFFE000  }
0x53: {  	[tilespmem:s2], [sflag:$0x1] =	stream.linear.gather [hbm4b:s13+s2], $0x2800, $0x38;
	[tilespmem:$0x1A800] =	vst v63  }
0x54: {  	_ =	swait.ge [sflag:s8], $0x2800  }
0x55: {  	[sflag:s8] =	ssyncset.done $0x0  }
0x56: {  	[sflag:s8] =	ssyncadd.s32 $0xFFFFD800  }
0x57: {  	s14 =	simm.s32 $0x0;
	[bflag:$0x0] =	sbarrier.arrive $0xFFFF  }
0x58: {  	[spmem:s0] =	stream.indirect.scatter.add.f32 [tilespmem:s7], [sflag:$0x1], $0x80, s14, s10, $0xb8;
	[tilespmem:$0x1A800] =	vst v63  }
0x59: {  	_ =	swait.ge [sflag:s8], $0x2000  }
0x5a: {  	s13 =	simm.s32 $0x200;
	[sflag:s8] =	ssyncset.done $0x0  }
.LBB2_2:
0x5b: {  	s14 =	sshra.s32 s13, $0x2;
	[sflag:s8] =	ssyncadd.s32 $0xFFFFE000;
	p0 =	sne.s32 s13, $0x9E00  }
0x5c: {  	[spmem:s0] =	stream.indirect.scatter.add.f32 [tilespmem:s7], [sflag:$0x1], $0x80, s14, s10, $0xb8;
	[tilespmem:$0x1A800] =	vst v63  }
.Ltmp0:
0x5d: {  	_ = 	snop;
	(pc) =	sbr.rel @p0 .LBB2_2-.Ltmp0, $4  }
0x5e: {  	_ = 	snop  }
0x5f: {  	s13 =	sadd.s32 $0x200, s13  }
0x60: {  	_ =	swait.ge [sflag:s8], $0x2000  }
0x61: {  	[sflag:s8] =	ssyncset.done $0x0  }
0x62: {  	[sflag:s8] =	ssyncadd.s32 $0xFFFFE000  }
0x63: {  	[bflag:$0x0] =	sbarrier.arrive $0xFFFF  }
0x64: {  	[tilespmem:s9], [sflag:$0x1] =	stream.linear.gather [spmem:s17], $0x2000, $0x38;
	[tilespmem:$0x1A800] =	vst v63  }
0x65: {  	_ =	swait.ge [sflag:s8], $0x2000  }
0x66: {  	[sflag:s8] =	ssyncset.done $0x0  }
0x67: {  	s13 =	rddreg [dreg:$0x5];
	[sflag:s8] =	ssyncadd.s32 $0xFFFFE000  }
0x68: {  	[hbm4b:s13+s2] =	stream.linear.scatter [tilespmem:s9], [sflag:$0x1], $0x2000, $0x38;
	[tilespmem:$0x1A800] =	vst v63  }
0x69: {  	_ =	swait.ge [sflag:s8], $0x2000  }
0x6a: {  	[sflag:s8] =	ssyncset.done $0x0  }
0x6b: {  	[sflag:s8] =	ssyncadd.s32 $0xFFFFE000  }
0x6c: {  	[tilespmem:s9], [sflag:$0x1] =	stream.linear.gather [spmem:s19], $0x2000, $0x38;
	[tilespmem:$0x1A800] =	vst v63  }
0x6d: {  	_ =	swait.ge [sflag:s8], $0x2000  }
0x6e: {  	[sflag:s8] =	ssyncset.done $0x0  }
0x6f: {  	s14 =	rddreg [dreg:$0x6];
	[sflag:s8] =	ssyncadd.s32 $0xFFFFE000  }
0x70: {  	[hbm4b:s14+s2] =	stream.linear.scatter [tilespmem:s9], [sflag:$0x1], $0x2000, $0x38;
	[tilespmem:$0x1A800] =	vst v63  }
0x71: {  	_ =	swait.ge [sflag:s8], $0x2000  }
0x72: {  	[sflag:s8] =	ssyncset.done $0x0  }
0x73: {  	[sflag:s8] =	ssyncadd.s32 $0xFFFFE000  }
0x74: {  	[tilespmem:s9], [sflag:$0x1] =	stream.linear.gather [spmem:s20], $0x2000, $0x38;
	[tilespmem:$0x1A800] =	vst v63  }
0x75: {  	_ =	swait.ge [sflag:s8], $0x2000  }
0x76: {  	[sflag:s8] =	ssyncset.done $0x0  }
0x77: {  	s14 =	rddreg [dreg:$0x7];
	[sflag:s8] =	ssyncadd.s32 $0xFFFFE000  }
0x78: {  	[hbm4b:s14+s2] =	stream.linear.scatter [tilespmem:s9], [sflag:$0x1], $0x2000, $0x38;
	[tilespmem:$0x1A800] =	vst v63  }
0x79: {  	_ =	swait.ge [sflag:s8], $0x2000  }
0x7a: {  	[sflag:s8] =	ssyncset.done $0x0  }
0x7b: {  	[sflag:s8] =	ssyncadd.s32 $0xFFFFE000  }
0x7c: {  	[tilespmem:s9], [sflag:$0x1] =	stream.linear.gather [spmem:s21], $0x2000, $0x38;
	[tilespmem:$0x1A800] =	vst v63  }
0x7d: {  	_ =	swait.ge [sflag:s8], $0x2000  }
0x7e: {  	[sflag:s8] =	ssyncset.done $0x0  }
0x7f: {  	s14 =	rddreg [dreg:$0x8];
	[sflag:s8] =	ssyncadd.s32 $0xFFFFE000  }
0x80: {  	[hbm4b:s14+s2] =	stream.linear.scatter [tilespmem:s9], [sflag:$0x1], $0x2000, $0x38;
	[tilespmem:$0x1A800] =	vst v63  }
0x81: {  	_ =	swait.ge [sflag:s8], $0x2000  }
0x82: {  	[sflag:s8] =	ssyncset.done $0x0  }
0x83: {  	[sflag:s8] =	ssyncadd.s32 $0xFFFFE000  }
0x84: {  	[tilespmem:s9], [sflag:$0x1] =	stream.linear.gather [spmem:s22], $0x2000, $0x38;
	[tilespmem:$0x1A800] =	vst v63  }
0x85: {  	_ =	swait.ge [sflag:s8], $0x2000  }
0x86: {  	[sflag:s8] =	ssyncset.done $0x0  }
0x87: {  	s14 =	rddreg [dreg:$0x9];
	[sflag:s8] =	ssyncadd.s32 $0xFFFFE000  }
0x88: {  	[hbm4b:s14+s2] =	stream.linear.scatter [tilespmem:s9], [sflag:$0x1], $0x2000, $0x38;
	[tilespmem:$0x1A800] =	vst v63  }
0x89: {  	_ =	swait.ge [sflag:s8], $0x2000  }
0x8a: {  	[sflag:s8] =	ssyncset.done $0x0  }
0x8b: {  	[sflag:s8] =	ssyncadd.s32 $0xFFFFE000  }
0x8c: {  	[tilespmem:s9], [sflag:$0x1] =	stream.linear.gather [spmem:s23], $0x2000, $0x38;
	[tilespmem:$0x1A800] =	vst v63  }
0x8d: {  	_ =	swait.ge [sflag:s8], $0x2000  }
0x8e: {  	[sflag:s8] =	ssyncset.done $0x0  }
0x8f: {  	s14 =	rddreg [dreg:$0xa];
	[sflag:s8] =	ssyncadd.s32 $0xFFFFE000  }
0x90: {  	[hbm4b:s14+s2] =	stream.linear.scatter [tilespmem:s9], [sflag:$0x1], $0x2000, $0x38;
	[tilespmem:$0x1A800] =	vst v63  }
0x91: {  	_ =	swait.ge [sflag:s8], $0x2000  }
0x92: {  	[sflag:s8] =	ssyncset.done $0x0  }
0x93: {  	[sflag:s8] =	ssyncadd.s32 $0xFFFFE000  }
0x94: {  	[tilespmem:s9], [sflag:$0x1] =	stream.linear.gather [spmem:s24], $0x2000, $0x38;
	[tilespmem:$0x1A800] =	vst v63  }
0x95: {  	_ =	swait.ge [sflag:s8], $0x2000  }
0x96: {  	[sflag:s8] =	ssyncset.done $0x0  }
0x97: {  	s14 =	rddreg [dreg:$0xb];
	[sflag:s8] =	ssyncadd.s32 $0xFFFFE000  }
0x98: {  	[hbm4b:s14+s2] =	stream.linear.scatter [tilespmem:s9], [sflag:$0x1], $0x2000, $0x38;
	[tilespmem:$0x1A800] =	vst v63  }
0x99: {  	_ =	swait.ge [sflag:s8], $0x2000  }
0x9a: {  	[sflag:s8] =	ssyncset.done $0x0  }
0x9b: {  	[sflag:s8] =	ssyncadd.s32 $0xFFFFE000  }
0x9c: {  	[tilespmem:s9], [sflag:$0x1] =	stream.linear.gather [spmem:s25], $0x2000, $0x38;
	[tilespmem:$0x1A800] =	vst v63  }
0x9d: {  	_ =	swait.ge [sflag:s8], $0x2000  }
0x9e: {  	[sflag:s8] =	ssyncset.done $0x0  }
0x9f: {  	s14 =	rddreg [dreg:$0xc];
	[sflag:s8] =	ssyncadd.s32 $0xFFFFE000  }
0xa0: {  	[hbm4b:s14+s2] =	stream.linear.scatter [tilespmem:s9], [sflag:$0x1], $0x2000, $0x38;
	[tilespmem:$0x1A800] =	vst v63  }
0xa1: {  	_ =	swait.ge [sflag:s8], $0x2000  }
0xa2: {  	[sflag:s8] =	ssyncset.done $0x0  }
0xa3: {  	[sflag:s8] =	ssyncadd.s32 $0xFFFFE000  }
0xa4: {  	[tilespmem:s9], [sflag:$0x1] =	stream.linear.gather [spmem:s26], $0x2000, $0x38;
	[tilespmem:$0x1A800] =	vst v63  }
0xa5: {  	_ =	swait.ge [sflag:s8], $0x2000  }
0xa6: {  	[sflag:s8] =	ssyncset.done $0x0  }
0xa7: {  	s14 =	rddreg [dreg:$0xd];
	[sflag:s8] =	ssyncadd.s32 $0xFFFFE000  }
0xa8: {  	[hbm4b:s14+s2] =	stream.linear.scatter [tilespmem:s9], [sflag:$0x1], $0x2000, $0x38;
	[tilespmem:$0x1A800] =	vst v63  }
0xa9: {  	_ =	swait.ge [sflag:s8], $0x2000  }
0xaa: {  	[sflag:s8] =	ssyncset.done $0x0  }
0xab: {  	[sflag:s8] =	ssyncadd.s32 $0xFFFFE000  }
0xac: {  	[tilespmem:s9], [sflag:$0x1] =	stream.linear.gather [spmem:s28], $0x2000, $0x38;
	[tilespmem:$0x1A800] =	vst v63  }
0xad: {  	s11 =	sadd.s32 $0x1, s11;
	_ =	swait.ge [sflag:s8], $0x2000  }
0xae: {  	p0 =	sne.s32 s11, s18;
	[sflag:s8] =	ssyncset.done $0x0  }
.Ltmp1:
0xaf: {  	s14 =	rddreg [dreg:$0xe];
	[sflag:s8] =	ssyncadd.s32 $0xFFFFE000;
	(pc) =	sbr.rel @p0 .LBB2_1-.Ltmp1, $4  }
0xb0: {  	[hbm4b:s14+s2] =	stream.linear.scatter [tilespmem:s9], [sflag:$0x1], $0x2000, $0x38;
	[tilespmem:$0x1A800] =	vst v63  }
0xb1: {  	_ =	swait.ge [sflag:s8], $0x2000  }
0xb2: {  	[sflag:s8] =	ssyncset.done $0x0  }
0xb3: {  	[sflag:s8] =	ssyncadd.s32 $0xFFFFE000  }
0xb4: {  	_ =	sfence.sel $0x180000  }
0xb5: {  	[bflag:$0x0] =	sbarrier.arrive $0xFFFF  }
0xb6: {  	_ =	strace $0x90000047  }
0xb7: {  	s0 =	stileid.u32;
	[bflag:$0x2] =	sbarrier.arrive $0xFFFF  }
0xb8: {  	p0 =	sne.s32 s0, $0x0;
	s0 =	rddreg [dreg:$0x3]  }
0xb9: {  	s0 =	sadd.s32 @!p0 $0x100000, s0  }
0xba: {  	[sflag:s0] =	ssyncadd.tile.s32 @!p0 $0x1;
	_ =	shalt  }
.Lfunc_end2:
_tile_overlayer_lowered:
.L_overlay_start_2:
0xbb: {  	(tag) =	ssettag $0x2  }
0xbc: {  	s0 =	rddreg [dreg:$0x0];
	s2 =	stileid.u32  }
0xbd: {  	s1 =	rddreg [dreg:$0x1];
	p0 =	sne.s32 s2, $0x0  }
0xbe: {  	s3 =	rddreg [dreg:$0x2];
	[bflag:$0x3] =	sbarrier.arrive $0xFFFF;
	s2 =	simm.s32 @!p0 $0x1C01  }
0xbf: {  	[timem:s3], [sflag:s2] =	dma.local @!p0 [hbm:s0], s1  }
0xc0: {  	s0 =	simm.s32 @!p0 $0x1  }
0xc1: {  	_ =	swait.ge @!p0 [sflag:s0], s1  }
0xc2: {  	s1 =	ssub.s32 @!p0 $0x0, s1;
	[sflag:s0] =	ssyncset.done @!p0 $0x0  }
0xc3: {  	[sflag:s0] =	ssyncadd.s32 @!p0 s1  }
0xc4: {  	[bflag:$0x3] =	sbarrier.arrive $0xFFFF  }
0xc5: {  	_ =	shalt  }

</sc_bundles>
